<compile_context>
chip_gen: v7x
topology: tpu7x:2x2x1
jax: 0.10.2.dev20260603
libtpu: 0.0.44.dev20260713+nightly
codegen_flags: <defaults>
</compile_context>

<pallas_src>
import functools

import jax
import jax.numpy as jnp
import numpy as np
from jax import lax
from jax.experimental import pallas as pl
from jax.experimental.pallas import tpu as pltpu
from jax.experimental.pallas import tpu_sc as plsc

N = 500000
NUM_SEMANTIC = 100000
DIM_SEMANTIC = 64
C_DIM = 128
NUM_FREQS = 5
MAX_FREQ_LOG2 = 4.0

NW = 32
CHUNK = 128
NBUF = 6

BLK = 4096
PARTS = (75, 48)


def _sc_gather_fn(nchunk):
    info = plsc.get_sparse_core_info()
    nc = info.num_cores
    b_per_w = CHUNK * nchunk
    npad = NW * b_per_w

    mesh = plsc.VectorSubcoreMesh(core_axis_name="c", subcore_axis_name="s")

    @functools.partial(
        pl.kernel,
        mesh=mesh,
        compiler_params=pltpu.CompilerParams(use_tc_tiling_on_sc=False),
        out_type=jax.ShapeDtypeStruct((npad, C_DIM), jnp.float32),
        scratch_types=[
            pltpu.VMEM((nchunk, CHUNK), jnp.int32),
            pltpu.VMEM((NBUF, CHUNK, DIM_SEMANTIC), jnp.float32),
            pltpu.SemaphoreType.DMA((NBUF,)),
            pltpu.SemaphoreType.DMA((NBUF,)),
        ],
    )
    def sc_gather(ids_hbm, table_hbm, out_hbm, idx_v, rows_v, gsem, wsem):
        wid = lax.axis_index("s") * nc + lax.axis_index("c")
        base = wid * b_per_w
        pltpu.sync_copy(ids_hbm.at[wid], idx_v)

        def gather(i, r):
            pltpu.async_copy(table_hbm.at[idx_v.at[i]], rows_v.at[r],
                             gsem.at[r])

        def wb_copy(i, r):
            return pltpu.make_async_copy(
                rows_v.at[r],
                out_hbm.at[pl.ds(base + i * CHUNK, CHUNK),
                           pl.ds(0, DIM_SEMANTIC)],
                wsem.at[r])

        for i in range(NBUF - 1):
            gather(i, i)

        def body(i, carry):
            r = lax.rem(i, NBUF)
            r2 = lax.rem(i + NBUF - 1, NBUF)
            pltpu.make_async_copy(rows_v.at[r],
                                  out_hbm.at[pl.ds(base, CHUNK),
                                             pl.ds(0, DIM_SEMANTIC)],
                                  gsem.at[r]).wait()
            wb_copy(i, r).start()

            @pl.when(jnp.logical_and(i >= 1, i + NBUF - 1 < nchunk))
            def _():
                wb_copy(i, r2).wait()

            @pl.when(i + NBUF - 1 < nchunk)
            def _():
                gather(i + NBUF - 1, r2)

            return carry

        lax.fori_loop(0, nchunk, body, 0)
        for r in range(NBUF):
            pltpu.make_async_copy(rows_v.at[r],
                                  out_hbm.at[pl.ds(base, CHUNK),
                                             pl.ds(0, DIM_SEMANTIC)],
                                  wsem.at[r]).wait()

    return sc_gather


def _pos_weights():
    m = np.zeros((32, 3), np.float32)
    ph = np.zeros((32, 1), np.float32)
    freqs = 2.0 ** np.linspace(0.0, MAX_FREQ_LOG2, NUM_FREQS)
    for i in range(NUM_FREQS):
        for s in range(2):
            for c in range(3):
                k = 6 * i + 3 * s + c
                m[k, c] = freqs[i]
                ph[k, 0] = 0.0 if s == 0 else np.pi / 2.0
    return jnp.asarray(m), jnp.asarray(ph)


_SIN_C = (6.2831852819, -41.341698212, 81.605064899, -76.702152496,
          42.020491157, -14.883436519, 3.2191201543)
_INV_2PI = 0.15915493667125702


def _fast_sin(t):
    u = t * jnp.float32(_INV_2PI)
    r = u - jnp.floor(u + jnp.float32(0.5))
    r2 = r * r
    acc = jnp.float32(_SIN_C[6])
    for k in range(5, -1, -1):
        acc = acc * r2 + jnp.float32(_SIN_C[k])
    return acc * r


def _dot_t(a, b):
    return lax.dot_general(a, b, (((0,), (0,)), ((), ())),
                           preferred_element_type=jnp.float32)


def _tc_body(sem_ref, coords_ref, inten_ref, m2_ref, ph_ref, wsin_ref,
             wsem_ref, wraw_ref, wi_ref, b_ref, out_ref):
    sem = sem_ref[:, :DIM_SEMANTIC]
    xt = coords_ref[...]
    t = lax.dot_general(m2_ref[...], xt, (((1,), (0,)), ((), ())),
                        preferred_element_type=jnp.float32,
                        precision=lax.Precision.HIGHEST)
    t = t + ph_ref[...]
    s = _fast_sin(t)
    acc = _dot_t(s, wsin_ref[...])
    acc = acc + jnp.dot(sem, wsem_ref[...],
                        preferred_element_type=jnp.float32)
    acc = acc + _dot_t(xt, wraw_ref[...])
    acc = acc + _dot_t(inten_ref[...], wi_ref[...])
    acc = acc + b_ref[...]
    out_ref[...] = acc


def _tc_body_alias(prev_ref, sem_ref, coords_ref, inten_ref, m2_ref, ph_ref,
                   wsin_ref, wsem_ref, wraw_ref, wi_ref, b_ref, out_ref):
    del prev_ref
    _tc_body(sem_ref, coords_ref, inten_ref, m2_ref, ph_ref, wsin_ref,
             wsem_ref, wraw_ref, wi_ref, b_ref, out_ref)


def kernel(coords, semantic_ids, intensity, embed_table, W, b):
    ids = semantic_ids.astype(jnp.int32)
    sems = []
    off = 0
    for nblk in PARTS:
        start, stop = off * BLK, min((off + nblk) * BLK, N)
        npad = nblk * BLK
        nchunk = npad // (NW * CHUNK)
        part = ids[start:stop]
        if stop - start < npad:
            part = jnp.pad(part, (0, npad - (stop - start)))
        sems.append(_sc_gather_fn(nchunk)(part.reshape(NW, nchunk, CHUNK),
                                          embed_table))
        off += nblk

    coords_t = coords.T
    inten_t = intensity.T

    cols = W.T
    m2, ph = _pos_weights()
    wsin = jnp.zeros((32, C_DIM), jnp.float32).at[:30].set(cols[3:33])
    wsem = cols[33:97]
    wraw = cols[0:3]
    wi = cols[97:98]
    b2 = b.reshape(1, C_DIM)

    common_specs = [
        pl.BlockSpec((3, BLK), lambda i: (0, i)),
        pl.BlockSpec((1, BLK), lambda i: (0, i)),
        pl.BlockSpec((32, 3), lambda i: (0, 0)),
        pl.BlockSpec((32, 1), lambda i: (0, 0)),
        pl.BlockSpec((32, C_DIM), lambda i: (0, 0)),
        pl.BlockSpec((64, C_DIM), lambda i: (0, 0)),
        pl.BlockSpec((3, C_DIM), lambda i: (0, 0)),
        pl.BlockSpec((1, C_DIM), lambda i: (0, 0)),
        pl.BlockSpec((1, C_DIM), lambda i: (0, 0)),
    ]
    weights = (m2, ph, wsin, wsem, wraw, wi, b2)
    out_shape = jax.ShapeDtypeStruct((N, C_DIM), jnp.float32)

    out = None
    off = 0
    for k, nblk in enumerate(PARTS):
        o = off
        part_specs = [
            pl.BlockSpec((BLK, C_DIM), lambda i: (i, 0)),
            pl.BlockSpec((3, BLK), lambda i, o=o: (0, i + o)),
            pl.BlockSpec((1, BLK), lambda i, o=o: (0, i + o)),
        ] + common_specs[2:]
        out_spec = pl.BlockSpec((BLK, C_DIM), lambda i, o=o: (i + o, 0))
        if k == 0:
            out = pl.pallas_call(
                _tc_body,
                grid=(nblk,),
                in_specs=part_specs,
                out_specs=out_spec,
                out_shape=out_shape,
            )(sems[k], coords_t, inten_t, *weights)
        else:
            out = pl.pallas_call(
                _tc_body_alias,
                grid=(nblk,),
                in_specs=[pl.BlockSpec(memory_space=pltpu.MemorySpace.HBM)]
                + part_specs,
                out_specs=out_spec,
                out_shape=out_shape,
                input_output_aliases={0: 0},
            )(out, sems[k], coords_t, inten_t, *weights)
        off += nblk
    return out

# --- scband reference (transcript-rebuilt; emitter-appended) ---
"""Pipeline reference for scband-encoder-1391569404504 (READ-ONLY COPY).

The authoritative reference and input builder live on the scoring server;
editing this copy changes nothing except your own understanding.
"""

import jax, jax.numpy as jnp
import numpy as np

N = 500000
NUM_SEMANTIC = 100000
DIM_SEMANTIC = 64
C_DIM = 128
NUM_FREQS = 5
MAX_FREQ_LOG2 = 4.0
POS_OUT = 3 + NUM_FREQS * 2 * 3  # include_input + sin/cos per freq
IN_DIM = POS_OUT + DIM_SEMANTIC + 1  # + intensity


def setup_inputs(seed: int = 0) -> dict:
    key = jax.random.key(seed)
    ks = jax.random.split(key, 6)
    coords = jax.random.normal(ks[0], (N, 3), dtype=jnp.float32)
    semantic_ids = jax.random.randint(ks[1], (N,), 0, NUM_SEMANTIC, dtype=jnp.int64 if jax.config.jax_enable_x64 else jnp.int32)
    intensity = jax.random.uniform(ks[2], (N, 1), dtype=jnp.float32)
    embed_table = jax.random.normal(ks[3], (NUM_SEMANTIC, DIM_SEMANTIC), dtype=jnp.float32) * 0.02
    W = jax.random.normal(ks[4], (C_DIM, IN_DIM), dtype=jnp.float32) * 0.05
    b = jnp.zeros((C_DIM,), dtype=jnp.float32)
    return {"coords": coords, "semantic_ids": semantic_ids, "intensity": intensity,
            "embed_table": embed_table, "W": W, "b": b}


def _pos_embed(x):
    # Embedder(multires=5): freq_bands = 2**linspace(0, 4, 5); order: for freq -> [sin, cos]
    freq_bands = 2.0 ** jnp.linspace(0.0, MAX_FREQ_LOG2, NUM_FREQS)
    outs = [x]
    for i in range(NUM_FREQS):
        f = freq_bands[i]
        outs.append(jnp.sin(x * f))
        outs.append(jnp.cos(x * f))
    return jnp.concatenate(outs, axis=-1)


def reference(coords, semantic_ids, intensity, embed_table, W, b):
    unet_feat = _pos_embed(coords)
    sem = jnp.take(embed_table, semantic_ids, axis=0)  # embedding lookup (gather)
    unet_feat = jnp.concatenate([unet_feat, sem], axis=1)
    unet_feat = jnp.concatenate([unet_feat, intensity], axis=1)
    out = unet_feat @ W.T + b  # mix_fc
    return out

if __name__ == "__main__":
    import jax
    _d = setup_inputs()
    print(jax.jit(kernel)(*tuple(_d.values())))

</pallas_src>

<mosaic_0001>
#map = affine_map<(d0, d1) -> (0, 0, 0)>
#map1 = affine_map<(d0, d1) -> (0, 0)>
module attributes {stable_mosaic.version = 14 : i64} {
  func.func @sc_gather(%arg0: i32, %arg1: i32, %arg2: memref<32x48x128xi32, #tpu.memory_space<hbm>>, %arg3: memref<100000x64xf32, #tpu.memory_space<hbm>>, %arg4: memref<196608x128xf32, #tpu.memory_space<hbm>>, %arg5: memref<48x128xi32, #tpu.memory_space<vmem>>, %arg6: memref<6x128x64xf32, #tpu.memory_space<vmem>>, %arg7: memref<6x!tpu.dma_semaphore, #tpu.memory_space<semaphore_mem>>, %arg8: memref<6x!tpu.dma_semaphore, #tpu.memory_space<semaphore_mem>>) attributes {dimension_semantics = [#tpu.dimension_semantics<core_parallel>, #tpu.dimension_semantics<subcore_parallel>], iteration_bounds = array<i64: 2, 16>, scalar_prefetch = 0 : i64, scratch_operands = 4 : i64, tpu.core_type = #tpu.core_type<sc_vector_subcore>, window_params = [{transform_indices = #map}, {transform_indices = #map1}, {transform_indices = #map1}]} {
    %mul3A = arith.constant 2 : i32
    %mul3A_0 = arith.muli %arg1, %mul3A : i32
    %add3A = arith.addi %mul3A_0, %arg0 : i32
    %mul3A_1 = arith.constant 6144 : i32
    %mul3A_2 = arith.muli %add3A, %mul3A_1 : i32
    "tpu.region"() ({
      %run_scoped3A = tpu.sem_alloc : memref<!tpu.dma_semaphore, #tpu.memory_space<semaphore_mem>>
      %dma_start3A_177 = arith.constant 0 : i32
      %dma_start3A_178 = arith.constant 0 : i32
      %dma_start3A_179 = tpu.memref_slice %arg2[%add3A, %dma_start3A_177, %dma_start3A_178] : memref<32x48x128xi32, #tpu.memory_space<hbm>> -> memref<1x48x128xi32, #tpu.memory_space<hbm>>
      %dma_start3A_180 = tpu.memref_squeeze %dma_start3A_179 : memref<1x48x128xi32, #tpu.memory_space<hbm>> -> memref<48x128xi32, #tpu.memory_space<hbm>>
      %dma_start3A_181 = arith.constant 0 : i32
      %dma_start3A_182 = arith.constant 0 : i32
      %dma_start3A_183 = tpu.memref_slice %arg2[%add3A, %dma_start3A_181, %dma_start3A_182] : memref<32x48x128xi32, #tpu.memory_space<hbm>> -> memref<1x48x128xi32, #tpu.memory_space<hbm>>
      %dma_start3A_184 = tpu.memref_squeeze %dma_start3A_183 : memref<1x48x128xi32, #tpu.memory_space<hbm>> -> memref<48x128xi32, #tpu.memory_space<hbm>>
      tpu.enqueue_dma source(%dma_start3A_184 : memref<48x128xi32, #tpu.memory_space<hbm>>) target(%arg5 : memref<48x128xi32, #tpu.memory_space<vmem>>) target_semaphore(%run_scoped3A : memref<!tpu.dma_semaphore, #tpu.memory_space<semaphore_mem>>)
      %dma_wait3A_185 = arith.constant 0 : i32
      %dma_wait3A_186 = arith.constant 0 : i32
      %dma_wait3A_187 = tpu.memref_slice %arg2[%add3A, %dma_wait3A_185, %dma_wait3A_186] : memref<32x48x128xi32, #tpu.memory_space<hbm>> -> memref<1x48x128xi32, #tpu.memory_space<hbm>>
      %dma_wait3A_188 = tpu.memref_squeeze %dma_wait3A_187 : memref<1x48x128xi32, #tpu.memory_space<hbm>> -> memref<48x128xi32, #tpu.memory_space<hbm>>
      %dma_wait3A_189 = arith.constant 0 : i32
      %dma_wait3A_190 = arith.constant 0 : i32
      %dma_wait3A_191 = tpu.memref_slice %arg2[%add3A, %dma_wait3A_189, %dma_wait3A_190] : memref<32x48x128xi32, #tpu.memory_space<hbm>> -> memref<1x48x128xi32, #tpu.memory_space<hbm>>
      %dma_wait3A_192 = tpu.memref_squeeze %dma_wait3A_191 : memref<1x48x128xi32, #tpu.memory_space<hbm>> -> memref<48x128xi32, #tpu.memory_space<hbm>>
      tpu.wait_dma2 semaphore(%run_scoped3A : memref<!tpu.dma_semaphore, #tpu.memory_space<semaphore_mem>>) src(%dma_wait3A_192 : memref<48x128xi32, #tpu.memory_space<hbm>>) dst(%arg5 : memref<48x128xi32, #tpu.memory_space<vmem>>)
      tpu.yield
    }) : () -> ()
    %dma_start3A = arith.constant 0 : i32
    %dma_start3A_3 = arith.constant 0 : i32
    %dma_start3A_4 = arith.constant 0 : i32
    %dma_start3A_5 = arith.constant 0 : i32
    %dma_start3A_6 = arith.constant 0 : i32
    %dma_start3A_7 = tpu.memref_slice %arg6[%dma_start3A_3, %dma_start3A_5, %dma_start3A_6] : memref<6x128x64xf32, #tpu.memory_space<vmem>> -> memref<1x128x64xf32, #tpu.memory_space<vmem>>
    %dma_start3A_8 = tpu.memref_squeeze %dma_start3A_7 : memref<1x128x64xf32, #tpu.memory_space<vmem>> -> memref<128x64xf32, #tpu.memory_space<vmem>>
    %dma_start3A_9 = arith.constant 0 : i32
    %dma_start3A_10 = tpu.memref_slice %arg5[%dma_start3A, %dma_start3A_9] : memref<48x128xi32, #tpu.memory_space<vmem>> -> memref<1x128xi32, #tpu.memory_space<vmem>>
    %dma_start3A_11 = tpu.memref_squeeze %dma_start3A_10 : memref<1x128xi32, #tpu.memory_space<vmem>> -> memref<128xi32, #tpu.memory_space<vmem>>
    %dma_start3A_12 = arith.constant 0 : i32
    %dma_start3A_13 = arith.constant 0 : i32
    %dma_start3A_14 = tpu.memref_slice %arg3[%dma_start3A_12, %dma_start3A_13] : memref<100000x64xf32, #tpu.memory_space<hbm>> -> memref<100000x64xf32, #tpu.memory_space<hbm>>
    %dma_start3A_15 = tpu.memref_slice %arg7[%dma_start3A_4] : memref<6x!tpu.dma_semaphore, #tpu.memory_space<semaphore_mem>> -> memref<1x!tpu.dma_semaphore, #tpu.memory_space<semaphore_mem>>
    %dma_start3A_16 = tpu.memref_squeeze %dma_start3A_15 : memref<1x!tpu.dma_semaphore, #tpu.memory_space<semaphore_mem>> -> memref<!tpu.dma_semaphore, #tpu.memory_space<semaphore_mem>>
    tpu.enqueue_indirect_dma source(%dma_start3A_14 : memref<100000x64xf32, #tpu.memory_space<hbm>>) target(%dma_start3A_8 : memref<128x64xf32, #tpu.memory_space<vmem>>) offsets(%dma_start3A_11 : memref<128xi32, #tpu.memory_space<vmem>>) semaphore(%dma_start3A_16 : memref<!tpu.dma_semaphore, #tpu.memory_space<semaphore_mem>>)
    %dma_start3A_17 = arith.constant 1 : i32
    %dma_start3A_18 = arith.constant 1 : i32
    %dma_start3A_19 = arith.constant 1 : i32
    %dma_start3A_20 = arith.constant 0 : i32
    %dma_start3A_21 = arith.constant 0 : i32
    %dma_start3A_22 = tpu.memref_slice %arg6[%dma_start3A_18, %dma_start3A_20, %dma_start3A_21] : memref<6x128x64xf32, #tpu.memory_space<vmem>> -> memref<1x128x64xf32, #tpu.memory_space<vmem>>
    %dma_start3A_23 = tpu.memref_squeeze %dma_start3A_22 : memref<1x128x64xf32, #tpu.memory_space<vmem>> -> memref<128x64xf32, #tpu.memory_space<vmem>>
    %dma_start3A_24 = arith.constant 0 : i32
    %dma_start3A_25 = tpu.memref_slice %arg5[%dma_start3A_17, %dma_start3A_24] : memref<48x128xi32, #tpu.memory_space<vmem>> -> memref<1x128xi32, #tpu.memory_space<vmem>>
    %dma_start3A_26 = tpu.memref_squeeze %dma_start3A_25 : memref<1x128xi32, #tpu.memory_space<vmem>> -> memref<128xi32, #tpu.memory_space<vmem>>
    %dma_start3A_27 = arith.constant 0 : i32
    %dma_start3A_28 = arith.constant 0 : i32
    %dma_start3A_29 = tpu.memref_slice %arg3[%dma_start3A_27, %dma_start3A_28] : memref<100000x64xf32, #tpu.memory_space<hbm>> -> memref<100000x64xf32, #tpu.memory_space<hbm>>
    %dma_start3A_30 = tpu.memref_slice %arg7[%dma_start3A_19] : memref<6x!tpu.dma_semaphore, #tpu.memory_space<semaphore_mem>> -> memref<1x!tpu.dma_semaphore, #tpu.memory_space<semaphore_mem>>
    %dma_start3A_31 = tpu.memref_squeeze %dma_start3A_30 : memref<1x!tpu.dma_semaphore, #tpu.memory_space<semaphore_mem>> -> memref<!tpu.dma_semaphore, #tpu.memory_space<semaphore_mem>>
    tpu.enqueue_indirect_dma source(%dma_start3A_29 : memref<100000x64xf32, #tpu.memory_space<hbm>>) target(%dma_start3A_23 : memref<128x64xf32, #tpu.memory_space<vmem>>) offsets(%dma_start3A_26 : memref<128xi32, #tpu.memory_space<vmem>>) semaphore(%dma_start3A_31 : memref<!tpu.dma_semaphore, #tpu.memory_space<semaphore_mem>>)
    %dma_start3A_32 = arith.constant 2 : i32
    %dma_start3A_33 = arith.constant 2 : i32
    %dma_start3A_34 = arith.constant 2 : i32
    %dma_start3A_35 = arith.constant 0 : i32
    %dma_start3A_36 = arith.constant 0 : i32
    %dma_start3A_37 = tpu.memref_slice %arg6[%dma_start3A_33, %dma_start3A_35, %dma_start3A_36] : memref<6x128x64xf32, #tpu.memory_space<vmem>> -> memref<1x128x64xf32, #tpu.memory_space<vmem>>
    %dma_start3A_38 = tpu.memref_squeeze %dma_start3A_37 : memref<1x128x64xf32, #tpu.memory_space<vmem>> -> memref<128x64xf32, #tpu.memory_space<vmem>>
    %dma_start3A_39 = arith.constant 0 : i32
    %dma_start3A_40 = tpu.memref_slice %arg5[%dma_start3A_32, %dma_start3A_39] : memref<48x128xi32, #tpu.memory_space<vmem>> -> memref<1x128xi32, #tpu.memory_space<vmem>>
    %dma_start3A_41 = tpu.memref_squeeze %dma_start3A_40 : memref<1x128xi32, #tpu.memory_space<vmem>> -> memref<128xi32, #tpu.memory_space<vmem>>
    %dma_start3A_42 = arith.constant 0 : i32
    %dma_start3A_43 = arith.constant 0 : i32
    %dma_start3A_44 = tpu.memref_slice %arg3[%dma_start3A_42, %dma_start3A_43] : memref<100000x64xf32, #tpu.memory_space<hbm>> -> memref<100000x64xf32, #tpu.memory_space<hbm>>
    %dma_start3A_45 = tpu.memref_slice %arg7[%dma_start3A_34] : memref<6x!tpu.dma_semaphore, #tpu.memory_space<semaphore_mem>> -> memref<1x!tpu.dma_semaphore, #tpu.memory_space<semaphore_mem>>
    %dma_start3A_46 = tpu.memref_squeeze %dma_start3A_45 : memref<1x!tpu.dma_semaphore, #tpu.memory_space<semaphore_mem>> -> memref<!tpu.dma_semaphore, #tpu.memory_space<semaphore_mem>>
    tpu.enqueue_indirect_dma source(%dma_start3A_44 : memref<100000x64xf32, #tpu.memory_space<hbm>>) target(%dma_start3A_38 : memref<128x64xf32, #tpu.memory_space<vmem>>) offsets(%dma_start3A_41 : memref<128xi32, #tpu.memory_space<vmem>>) semaphore(%dma_start3A_46 : memref<!tpu.dma_semaphore, #tpu.memory_space<semaphore_mem>>)
    %dma_start3A_47 = arith.constant 3 : i32
    %dma_start3A_48 = arith.constant 3 : i32
    %dma_start3A_49 = arith.constant 3 : i32
    %dma_start3A_50 = arith.constant 0 : i32
    %dma_start3A_51 = arith.constant 0 : i32
    %dma_start3A_52 = tpu.memref_slice %arg6[%dma_start3A_48, %dma_start3A_50, %dma_start3A_51] : memref<6x128x64xf32, #tpu.memory_space<vmem>> -> memref<1x128x64xf32, #tpu.memory_space<vmem>>
    %dma_start3A_53 = tpu.memref_squeeze %dma_start3A_52 : memref<1x128x64xf32, #tpu.memory_space<vmem>> -> memref<128x64xf32, #tpu.memory_space<vmem>>
    %dma_start3A_54 = arith.constant 0 : i32
    %dma_start3A_55 = tpu.memref_slice %arg5[%dma_start3A_47, %dma_start3A_54] : memref<48x128xi32, #tpu.memory_space<vmem>> -> memref<1x128xi32, #tpu.memory_space<vmem>>
    %dma_start3A_56 = tpu.memref_squeeze %dma_start3A_55 : memref<1x128xi32, #tpu.memory_space<vmem>> -> memref<128xi32, #tpu.memory_space<vmem>>
    %dma_start3A_57 = arith.constant 0 : i32
    %dma_start3A_58 = arith.constant 0 : i32
    %dma_start3A_59 = tpu.memref_slice %arg3[%dma_start3A_57, %dma_start3A_58] : memref<100000x64xf32, #tpu.memory_space<hbm>> -> memref<100000x64xf32, #tpu.memory_space<hbm>>
    %dma_start3A_60 = tpu.memref_slice %arg7[%dma_start3A_49] : memref<6x!tpu.dma_semaphore, #tpu.memory_space<semaphore_mem>> -> memref<1x!tpu.dma_semaphore, #tpu.memory_space<semaphore_mem>>
    %dma_start3A_61 = tpu.memref_squeeze %dma_start3A_60 : memref<1x!tpu.dma_semaphore, #tpu.memory_space<semaphore_mem>> -> memref<!tpu.dma_semaphore, #tpu.memory_space<semaphore_mem>>
    tpu.enqueue_indirect_dma source(%dma_start3A_59 : memref<100000x64xf32, #tpu.memory_space<hbm>>) target(%dma_start3A_53 : memref<128x64xf32, #tpu.memory_space<vmem>>) offsets(%dma_start3A_56 : memref<128xi32, #tpu.memory_space<vmem>>) semaphore(%dma_start3A_61 : memref<!tpu.dma_semaphore, #tpu.memory_space<semaphore_mem>>)
    %dma_start3A_62 = arith.constant 4 : i32
    %dma_start3A_63 = arith.constant 4 : i32
    %dma_start3A_64 = arith.constant 4 : i32
    %dma_start3A_65 = arith.constant 0 : i32
    %dma_start3A_66 = arith.constant 0 : i32
    %dma_start3A_67 = tpu.memref_slice %arg6[%dma_start3A_63, %dma_start3A_65, %dma_start3A_66] : memref<6x128x64xf32, #tpu.memory_space<vmem>> -> memref<1x128x64xf32, #tpu.memory_space<vmem>>
    %dma_start3A_68 = tpu.memref_squeeze %dma_start3A_67 : memref<1x128x64xf32, #tpu.memory_space<vmem>> -> memref<128x64xf32, #tpu.memory_space<vmem>>
    %dma_start3A_69 = arith.constant 0 : i32
    %dma_start3A_70 = tpu.memref_slice %arg5[%dma_start3A_62, %dma_start3A_69] : memref<48x128xi32, #tpu.memory_space<vmem>> -> memref<1x128xi32, #tpu.memory_space<vmem>>
    %dma_start3A_71 = tpu.memref_squeeze %dma_start3A_70 : memref<1x128xi32, #tpu.memory_space<vmem>> -> memref<128xi32, #tpu.memory_space<vmem>>
    %dma_start3A_72 = arith.constant 0 : i32
    %dma_start3A_73 = arith.constant 0 : i32
    %dma_start3A_74 = tpu.memref_slice %arg3[%dma_start3A_72, %dma_start3A_73] : memref<100000x64xf32, #tpu.memory_space<hbm>> -> memref<100000x64xf32, #tpu.memory_space<hbm>>
    %dma_start3A_75 = tpu.memref_slice %arg7[%dma_start3A_64] : memref<6x!tpu.dma_semaphore, #tpu.memory_space<semaphore_mem>> -> memref<1x!tpu.dma_semaphore, #tpu.memory_space<semaphore_mem>>
    %dma_start3A_76 = tpu.memref_squeeze %dma_start3A_75 : memref<1x!tpu.dma_semaphore, #tpu.memory_space<semaphore_mem>> -> memref<!tpu.dma_semaphore, #tpu.memory_space<semaphore_mem>>
    tpu.enqueue_indirect_dma source(%dma_start3A_74 : memref<100000x64xf32, #tpu.memory_space<hbm>>) target(%dma_start3A_68 : memref<128x64xf32, #tpu.memory_space<vmem>>) offsets(%dma_start3A_71 : memref<128xi32, #tpu.memory_space<vmem>>) semaphore(%dma_start3A_76 : memref<!tpu.dma_semaphore, #tpu.memory_space<semaphore_mem>>)
    %scan3A = arith.constant 0 : i32
    %scan3A_77 = arith.constant 0 : i32
    %scan3A_78 = arith.constant 48 : i32
    %scan3A_79 = arith.addi %scan3A_77, %scan3A_78 : i32
    %scan3A_80 = arith.constant 1 : i32
    scf.for %scan3A_177 = %scan3A_77 to %scan3A_79 step %scan3A_80  : i32 {
      %rem3A = arith.constant 6 : i32
      %rem3A_178 = arith.remsi %scan3A_177, %rem3A : i32
      %add3A_179 = arith.constant 6 : i32
      %add3A_180 = arith.addi %scan3A_177, %add3A_179 : i32
      %sub3A = arith.constant 1 : i32
      %sub3A_181 = arith.subi %add3A_180, %sub3A : i32
      %rem3A_182 = arith.constant 6 : i32
      %rem3A_183 = arith.remsi %sub3A_181, %rem3A_182 : i32
      %dma_wait3A_184 = arith.constant 0 : i32
      %dma_wait3A_185 = arith.constant 0 : i32
      %dma_wait3A_186 = tpu.memref_slice %arg6[%rem3A_178, %dma_wait3A_184, %dma_wait3A_185] : memref<6x128x64xf32, #tpu.memory_space<vmem>> -> memref<1x128x64xf32, #tpu.memory_space<vmem>>
      %dma_wait3A_187 = tpu.memref_squeeze %dma_wait3A_186 : memref<1x128x64xf32, #tpu.memory_space<vmem>> -> memref<128x64xf32, #tpu.memory_space<vmem>>
      %dma_wait3A_188 = arith.constant 0 : i32
      %dma_wait3A_189 = tpu.memref_slice %arg4[%mul3A_2, %dma_wait3A_188] : memref<196608x128xf32, #tpu.memory_space<hbm>> -> memref<128x64xf32, #tpu.memory_space<hbm>>
      %dma_wait3A_190 = tpu.memref_slice %arg7[%rem3A_178] : memref<6x!tpu.dma_semaphore, #tpu.memory_space<semaphore_mem>> -> memref<1x!tpu.dma_semaphore, #tpu.memory_space<semaphore_mem>>
      %dma_wait3A_191 = tpu.memref_squeeze %dma_wait3A_190 : memref<1x!tpu.dma_semaphore, #tpu.memory_space<semaphore_mem>> -> memref<!tpu.dma_semaphore, #tpu.memory_space<semaphore_mem>>
      %dma_wait3A_192 = arith.constant 0 : i32
      %dma_wait3A_193 = tpu.memref_slice %arg4[%mul3A_2, %dma_wait3A_192] : memref<196608x128xf32, #tpu.memory_space<hbm>> -> memref<128x64xf32, #tpu.memory_space<hbm>>
      %dma_wait3A_194 = arith.constant 0 : i32
      %dma_wait3A_195 = arith.constant 0 : i32
      %dma_wait3A_196 = tpu.memref_slice %arg6[%rem3A_178, %dma_wait3A_194, %dma_wait3A_195] : memref<6x128x64xf32, #tpu.memory_space<vmem>> -> memref<1x128x64xf32, #tpu.memory_space<vmem>>
      %dma_wait3A_197 = tpu.memref_squeeze %dma_wait3A_196 : memref<1x128x64xf32, #tpu.memory_space<vmem>> -> memref<128x64xf32, #tpu.memory_space<vmem>>
      tpu.wait_dma2 semaphore(%dma_wait3A_191 : memref<!tpu.dma_semaphore, #tpu.memory_space<semaphore_mem>>) src(%dma_wait3A_197 : memref<128x64xf32, #tpu.memory_space<vmem>>) dst(%dma_wait3A_193 : memref<128x64xf32, #tpu.memory_space<hbm>>)
      %mul3A_198 = arith.constant 128 : i32
      %mul3A_199 = arith.muli %scan3A_177, %mul3A_198 : i32
      %add3A_200 = arith.addi %mul3A_2, %mul3A_199 : i32
      %dma_start3A_201 = arith.constant 0 : i32
      %dma_start3A_202 = arith.constant 0 : i32
      %dma_start3A_203 = tpu.memref_slice %arg6[%rem3A_178, %dma_start3A_201, %dma_start3A_202] : memref<6x128x64xf32, #tpu.memory_space<vmem>> -> memref<1x128x64xf32, #tpu.memory_space<vmem>>
      %dma_start3A_204 = tpu.memref_squeeze %dma_start3A_203 : memref<1x128x64xf32, #tpu.memory_space<vmem>> -> memref<128x64xf32, #tpu.memory_space<vmem>>
      %dma_start3A_205 = arith.constant 0 : i32
      %dma_start3A_206 = tpu.memref_slice %arg4[%add3A_200, %dma_start3A_205] : memref<196608x128xf32, #tpu.memory_space<hbm>> -> memref<128x64xf32, #tpu.memory_space<hbm>>
      %dma_start3A_207 = tpu.memref_slice %arg8[%rem3A_178] : memref<6x!tpu.dma_semaphore, #tpu.memory_space<semaphore_mem>> -> memref<1x!tpu.dma_semaphore, #tpu.memory_space<semaphore_mem>>
      %dma_start3A_208 = tpu.memref_squeeze %dma_start3A_207 : memref<1x!tpu.dma_semaphore, #tpu.memory_space<semaphore_mem>> -> memref<!tpu.dma_semaphore, #tpu.memory_space<semaphore_mem>>
      %dma_start3A_209 = arith.constant 0 : i32
      %dma_start3A_210 = tpu.memref_slice %arg4[%add3A_200, %dma_start3A_209] : memref<196608x128xf32, #tpu.memory_space<hbm>> -> memref<128x64xf32, #tpu.memory_space<hbm>>
      %dma_start3A_211 = arith.constant 0 : i32
      %dma_start3A_212 = arith.constant 0 : i32
      %dma_start3A_213 = tpu.memref_slice %arg6[%rem3A_178, %dma_start3A_211, %dma_start3A_212] : memref<6x128x64xf32, #tpu.memory_space<vmem>> -> memref<1x128x64xf32, #tpu.memory_space<vmem>>
      %dma_start3A_214 = tpu.memref_squeeze %dma_start3A_213 : memref<1x128x64xf32, #tpu.memory_space<vmem>> -> memref<128x64xf32, #tpu.memory_space<vmem>>
      tpu.enqueue_dma source(%dma_start3A_214 : memref<128x64xf32, #tpu.memory_space<vmem>>) target(%dma_start3A_210 : memref<128x64xf32, #tpu.memory_space<hbm>>) target_semaphore(%dma_start3A_208 : memref<!tpu.dma_semaphore, #tpu.memory_space<semaphore_mem>>)
      %ge3A = arith.constant 1 : i32
      %ge3A_215 = arith.cmpi sge, %scan3A_177, %ge3A : i32
      %add3A_216 = arith.constant 6 : i32
      %add3A_217 = arith.addi %scan3A_177, %add3A_216 : i32
      %sub3A_218 = arith.constant 1 : i32
      %sub3A_219 = arith.subi %add3A_217, %sub3A_218 : i32
      %lt3A = arith.constant 48 : i32
      %lt3A_220 = arith.cmpi slt, %sub3A_219, %lt3A : i32
      %and3A = arith.andi %ge3A_215, %lt3A_220 : i1
      %convert_element_type3A = arith.extui %and3A : i1 to i32
      %cond3A = arith.constant 0 : i32
      %cond3A_221 = arith.cmpi ne, %convert_element_type3A, %cond3A : i32
      scf.if %cond3A_221 {
        %mul3A_231 = arith.constant 128 : i32
        %mul3A_232 = arith.muli %scan3A_177, %mul3A_231 : i32
        %add3A_233 = arith.addi %mul3A_2, %mul3A_232 : i32
        %dma_wait3A_234 = arith.constant 0 : i32
        %dma_wait3A_235 = arith.constant 0 : i32
        %dma_wait3A_236 = tpu.memref_slice %arg6[%rem3A_183, %dma_wait3A_234, %dma_wait3A_235] : memref<6x128x64xf32, #tpu.memory_space<vmem>> -> memref<1x128x64xf32, #tpu.memory_space<vmem>>
        %dma_wait3A_237 = tpu.memref_squeeze %dma_wait3A_236 : memref<1x128x64xf32, #tpu.memory_space<vmem>> -> memref<128x64xf32, #tpu.memory_space<vmem>>
        %dma_wait3A_238 = arith.constant 0 : i32
        %dma_wait3A_239 = tpu.memref_slice %arg4[%add3A_233, %dma_wait3A_238] : memref<196608x128xf32, #tpu.memory_space<hbm>> -> memref<128x64xf32, #tpu.memory_space<hbm>>
        %dma_wait3A_240 = tpu.memref_slice %arg8[%rem3A_183] : memref<6x!tpu.dma_semaphore, #tpu.memory_space<semaphore_mem>> -> memref<1x!tpu.dma_semaphore, #tpu.memory_space<semaphore_mem>>
        %dma_wait3A_241 = tpu.memref_squeeze %dma_wait3A_240 : memref<1x!tpu.dma_semaphore, #tpu.memory_space<semaphore_mem>> -> memref<!tpu.dma_semaphore, #tpu.memory_space<semaphore_mem>>
        %dma_wait3A_242 = arith.constant 0 : i32
        %dma_wait3A_243 = tpu.memref_slice %arg4[%add3A_233, %dma_wait3A_242] : memref<196608x128xf32, #tpu.memory_space<hbm>> -> memref<128x64xf32, #tpu.memory_space<hbm>>
        %dma_wait3A_244 = arith.constant 0 : i32
        %dma_wait3A_245 = arith.constant 0 : i32
        %dma_wait3A_246 = tpu.memref_slice %arg6[%rem3A_183, %dma_wait3A_244, %dma_wait3A_245] : memref<6x128x64xf32, #tpu.memory_space<vmem>> -> memref<1x128x64xf32, #tpu.memory_space<vmem>>
        %dma_wait3A_247 = tpu.memref_squeeze %dma_wait3A_246 : memref<1x128x64xf32, #tpu.memory_space<vmem>> -> memref<128x64xf32, #tpu.memory_space<vmem>>
        tpu.wait_dma2 semaphore(%dma_wait3A_241 : memref<!tpu.dma_semaphore, #tpu.memory_space<semaphore_mem>>) src(%dma_wait3A_247 : memref<128x64xf32, #tpu.memory_space<vmem>>) dst(%dma_wait3A_243 : memref<128x64xf32, #tpu.memory_space<hbm>>)
      } else {
      }
      %add3A_222 = arith.constant 6 : i32
      %add3A_223 = arith.addi %scan3A_177, %add3A_222 : i32
      %sub3A_224 = arith.constant 1 : i32
      %sub3A_225 = arith.subi %add3A_223, %sub3A_224 : i32
      %lt3A_226 = arith.constant 48 : i32
      %lt3A_227 = arith.cmpi slt, %sub3A_225, %lt3A_226 : i32
      %convert_element_type3A_228 = arith.extui %lt3A_227 : i1 to i32
      %cond3A_229 = arith.constant 0 : i32
      %cond3A_230 = arith.cmpi ne, %convert_element_type3A_228, %cond3A_229 : i32
      scf.if %cond3A_230 {
        %add3A_231 = arith.constant 6 : i32
        %add3A_232 = arith.addi %scan3A_177, %add3A_231 : i32
        %sub3A_233 = arith.constant 1 : i32
        %sub3A_234 = arith.subi %add3A_232, %sub3A_233 : i32
        %dma_start3A_235 = arith.constant 0 : i32
        %dma_start3A_236 = arith.constant 0 : i32
        %dma_start3A_237 = tpu.memref_slice %arg6[%rem3A_183, %dma_start3A_235, %dma_start3A_236] : memref<6x128x64xf32, #tpu.memory_space<vmem>> -> memref<1x128x64xf32, #tpu.memory_space<vmem>>
        %dma_start3A_238 = tpu.memref_squeeze %dma_start3A_237 : memref<1x128x64xf32, #tpu.memory_space<vmem>> -> memref<128x64xf32, #tpu.memory_space<vmem>>
        %dma_start3A_239 = arith.constant 0 : i32
        %dma_start3A_240 = tpu.memref_slice %arg5[%sub3A_234, %dma_start3A_239] : memref<48x128xi32, #tpu.memory_space<vmem>> -> memref<1x128xi32, #tpu.memory_space<vmem>>
        %dma_start3A_241 = tpu.memref_squeeze %dma_start3A_240 : memref<1x128xi32, #tpu.memory_space<vmem>> -> memref<128xi32, #tpu.memory_space<vmem>>
        %dma_start3A_242 = arith.constant 0 : i32
        %dma_start3A_243 = arith.constant 0 : i32
        %dma_start3A_244 = tpu.memref_slice %arg3[%dma_start3A_242, %dma_start3A_243] : memref<100000x64xf32, #tpu.memory_space<hbm>> -> memref<100000x64xf32, #tpu.memory_space<hbm>>
        %dma_start3A_245 = tpu.memref_slice %arg7[%rem3A_183] : memref<6x!tpu.dma_semaphore, #tpu.memory_space<semaphore_mem>> -> memref<1x!tpu.dma_semaphore, #tpu.memory_space<semaphore_mem>>
        %dma_start3A_246 = tpu.memref_squeeze %dma_start3A_245 : memref<1x!tpu.dma_semaphore, #tpu.memory_space<semaphore_mem>> -> memref<!tpu.dma_semaphore, #tpu.memory_space<semaphore_mem>>
        tpu.enqueue_indirect_dma source(%dma_start3A_244 : memref<100000x64xf32, #tpu.memory_space<hbm>>) target(%dma_start3A_238 : memref<128x64xf32, #tpu.memory_space<vmem>>) offsets(%dma_start3A_241 : memref<128xi32, #tpu.memory_space<vmem>>) semaphore(%dma_start3A_246 : memref<!tpu.dma_semaphore, #tpu.memory_space<semaphore_mem>>)
      } else {
      }
    }
    %scan3A_81 = arith.constant 48 : i32
    %dma_wait3A = arith.constant 0 : i32
    %dma_wait3A_82 = arith.constant 0 : i32
    %dma_wait3A_83 = arith.constant 0 : i32
    %dma_wait3A_84 = arith.constant 0 : i32
    %dma_wait3A_85 = tpu.memref_slice %arg6[%dma_wait3A, %dma_wait3A_83, %dma_wait3A_84] : memref<6x128x64xf32, #tpu.memory_space<vmem>> -> memref<1x128x64xf32, #tpu.memory_space<vmem>>
    %dma_wait3A_86 = tpu.memref_squeeze %dma_wait3A_85 : memref<1x128x64xf32, #tpu.memory_space<vmem>> -> memref<128x64xf32, #tpu.memory_space<vmem>>
    %dma_wait3A_87 = arith.constant 0 : i32
    %dma_wait3A_88 = tpu.memref_slice %arg4[%mul3A_2, %dma_wait3A_87] : memref<196608x128xf32, #tpu.memory_space<hbm>> -> memref<128x64xf32, #tpu.memory_space<hbm>>
    %dma_wait3A_89 = tpu.memref_slice %arg8[%dma_wait3A_82] : memref<6x!tpu.dma_semaphore, #tpu.memory_space<semaphore_mem>> -> memref<1x!tpu.dma_semaphore, #tpu.memory_space<semaphore_mem>>
    %dma_wait3A_90 = tpu.memref_squeeze %dma_wait3A_89 : memref<1x!tpu.dma_semaphore, #tpu.memory_space<semaphore_mem>> -> memref<!tpu.dma_semaphore, #tpu.memory_space<semaphore_mem>>
    %dma_wait3A_91 = arith.constant 0 : i32
    %dma_wait3A_92 = tpu.memref_slice %arg4[%mul3A_2, %dma_wait3A_91] : memref<196608x128xf32, #tpu.memory_space<hbm>> -> memref<128x64xf32, #tpu.memory_space<hbm>>
    %dma_wait3A_93 = arith.constant 0 : i32
    %dma_wait3A_94 = arith.constant 0 : i32
    %dma_wait3A_95 = tpu.memref_slice %arg6[%dma_wait3A, %dma_wait3A_93, %dma_wait3A_94] : memref<6x128x64xf32, #tpu.memory_space<vmem>> -> memref<1x128x64xf32, #tpu.memory_space<vmem>>
    %dma_wait3A_96 = tpu.memref_squeeze %dma_wait3A_95 : memref<1x128x64xf32, #tpu.memory_space<vmem>> -> memref<128x64xf32, #tpu.memory_space<vmem>>
    tpu.wait_dma2 semaphore(%dma_wait3A_90 : memref<!tpu.dma_semaphore, #tpu.memory_space<semaphore_mem>>) src(%dma_wait3A_96 : memref<128x64xf32, #tpu.memory_space<vmem>>) dst(%dma_wait3A_92 : memref<128x64xf32, #tpu.memory_space<hbm>>)
    %dma_wait3A_97 = arith.constant 1 : i32
    %dma_wait3A_98 = arith.constant 1 : i32
    %dma_wait3A_99 = arith.constant 0 : i32
    %dma_wait3A_100 = arith.constant 0 : i32
    %dma_wait3A_101 = tpu.memref_slice %arg6[%dma_wait3A_97, %dma_wait3A_99, %dma_wait3A_100] : memref<6x128x64xf32, #tpu.memory_space<vmem>> -> memref<1x128x64xf32, #tpu.memory_space<vmem>>
    %dma_wait3A_102 = tpu.memref_squeeze %dma_wait3A_101 : memref<1x128x64xf32, #tpu.memory_space<vmem>> -> memref<128x64xf32, #tpu.memory_space<vmem>>
    %dma_wait3A_103 = arith.constant 0 : i32
    %dma_wait3A_104 = tpu.memref_slice %arg4[%mul3A_2, %dma_wait3A_103] : memref<196608x128xf32, #tpu.memory_space<hbm>> -> memref<128x64xf32, #tpu.memory_space<hbm>>
    %dma_wait3A_105 = tpu.memref_slice %arg8[%dma_wait3A_98] : memref<6x!tpu.dma_semaphore, #tpu.memory_space<semaphore_mem>> -> memref<1x!tpu.dma_semaphore, #tpu.memory_space<semaphore_mem>>
    %dma_wait3A_106 = tpu.memref_squeeze %dma_wait3A_105 : memref<1x!tpu.dma_semaphore, #tpu.memory_space<semaphore_mem>> -> memref<!tpu.dma_semaphore, #tpu.memory_space<semaphore_mem>>
    %dma_wait3A_107 = arith.constant 0 : i32
    %dma_wait3A_108 = tpu.memref_slice %arg4[%mul3A_2, %dma_wait3A_107] : memref<196608x128xf32, #tpu.memory_space<hbm>> -> memref<128x64xf32, #tpu.memory_space<hbm>>
    %dma_wait3A_109 = arith.constant 0 : i32
    %dma_wait3A_110 = arith.constant 0 : i32
    %dma_wait3A_111 = tpu.memref_slice %arg6[%dma_wait3A_97, %dma_wait3A_109, %dma_wait3A_110] : memref<6x128x64xf32, #tpu.memory_space<vmem>> -> memref<1x128x64xf32, #tpu.memory_space<vmem>>
    %dma_wait3A_112 = tpu.memref_squeeze %dma_wait3A_111 : memref<1x128x64xf32, #tpu.memory_space<vmem>> -> memref<128x64xf32, #tpu.memory_space<vmem>>
    tpu.wait_dma2 semaphore(%dma_wait3A_106 : memref<!tpu.dma_semaphore, #tpu.memory_space<semaphore_mem>>) src(%dma_wait3A_112 : memref<128x64xf32, #tpu.memory_space<vmem>>) dst(%dma_wait3A_108 : memref<128x64xf32, #tpu.memory_space<hbm>>)
    %dma_wait3A_113 = arith.constant 2 : i32
    %dma_wait3A_114 = arith.constant 2 : i32
    %dma_wait3A_115 = arith.constant 0 : i32
    %dma_wait3A_116 = arith.constant 0 : i32
    %dma_wait3A_117 = tpu.memref_slice %arg6[%dma_wait3A_113, %dma_wait3A_115, %dma_wait3A_116] : memref<6x128x64xf32, #tpu.memory_space<vmem>> -> memref<1x128x64xf32, #tpu.memory_space<vmem>>
    %dma_wait3A_118 = tpu.memref_squeeze %dma_wait3A_117 : memref<1x128x64xf32, #tpu.memory_space<vmem>> -> memref<128x64xf32, #tpu.memory_space<vmem>>
    %dma_wait3A_119 = arith.constant 0 : i32
    %dma_wait3A_120 = tpu.memref_slice %arg4[%mul3A_2, %dma_wait3A_119] : memref<196608x128xf32, #tpu.memory_space<hbm>> -> memref<128x64xf32, #tpu.memory_space<hbm>>
    %dma_wait3A_121 = tpu.memref_slice %arg8[%dma_wait3A_114] : memref<6x!tpu.dma_semaphore, #tpu.memory_space<semaphore_mem>> -> memref<1x!tpu.dma_semaphore, #tpu.memory_space<semaphore_mem>>
    %dma_wait3A_122 = tpu.memref_squeeze %dma_wait3A_121 : memref<1x!tpu.dma_semaphore, #tpu.memory_space<semaphore_mem>> -> memref<!tpu.dma_semaphore, #tpu.memory_space<semaphore_mem>>
    %dma_wait3A_123 = arith.constant 0 : i32
    %dma_wait3A_124 = tpu.memref_slice %arg4[%mul3A_2, %dma_wait3A_123] : memref<196608x128xf32, #tpu.memory_space<hbm>> -> memref<128x64xf32, #tpu.memory_space<hbm>>
    %dma_wait3A_125 = arith.constant 0 : i32
    %dma_wait3A_126 = arith.constant 0 : i32
    %dma_wait3A_127 = tpu.memref_slice %arg6[%dma_wait3A_113, %dma_wait3A_125, %dma_wait3A_126] : memref<6x128x64xf32, #tpu.memory_space<vmem>> -> memref<1x128x64xf32, #tpu.memory_space<vmem>>
    %dma_wait3A_128 = tpu.memref_squeeze %dma_wait3A_127 : memref<1x128x64xf32, #tpu.memory_space<vmem>> -> memref<128x64xf32, #tpu.memory_space<vmem>>
    tpu.wait_dma2 semaphore(%dma_wait3A_122 : memref<!tpu.dma_semaphore, #tpu.memory_space<semaphore_mem>>) src(%dma_wait3A_128 : memref<128x64xf32, #tpu.memory_space<vmem>>) dst(%dma_wait3A_124 : memref<128x64xf32, #tpu.memory_space<hbm>>)
    %dma_wait3A_129 = arith.constant 3 : i32
    %dma_wait3A_130 = arith.constant 3 : i32
    %dma_wait3A_131 = arith.constant 0 : i32
    %dma_wait3A_132 = arith.constant 0 : i32
    %dma_wait3A_133 = tpu.memref_slice %arg6[%dma_wait3A_129, %dma_wait3A_131, %dma_wait3A_132] : memref<6x128x64xf32, #tpu.memory_space<vmem>> -> memref<1x128x64xf32, #tpu.memory_space<vmem>>
    %dma_wait3A_134 = tpu.memref_squeeze %dma_wait3A_133 : memref<1x128x64xf32, #tpu.memory_space<vmem>> -> memref<128x64xf32, #tpu.memory_space<vmem>>
    %dma_wait3A_135 = arith.constant 0 : i32
    %dma_wait3A_136 = tpu.memref_slice %arg4[%mul3A_2, %dma_wait3A_135] : memref<196608x128xf32, #tpu.memory_space<hbm>> -> memref<128x64xf32, #tpu.memory_space<hbm>>
    %dma_wait3A_137 = tpu.memref_slice %arg8[%dma_wait3A_130] : memref<6x!tpu.dma_semaphore, #tpu.memory_space<semaphore_mem>> -> memref<1x!tpu.dma_semaphore, #tpu.memory_space<semaphore_mem>>
    %dma_wait3A_138 = tpu.memref_squeeze %dma_wait3A_137 : memref<1x!tpu.dma_semaphore, #tpu.memory_space<semaphore_mem>> -> memref<!tpu.dma_semaphore, #tpu.memory_space<semaphore_mem>>
    %dma_wait3A_139 = arith.constant 0 : i32
    %dma_wait3A_140 = tpu.memref_slice %arg4[%mul3A_2, %dma_wait3A_139] : memref<196608x128xf32, #tpu.memory_space<hbm>> -> memref<128x64xf32, #tpu.memory_space<hbm>>
    %dma_wait3A_141 = arith.constant 0 : i32
    %dma_wait3A_142 = arith.constant 0 : i32
    %dma_wait3A_143 = tpu.memref_slice %arg6[%dma_wait3A_129, %dma_wait3A_141, %dma_wait3A_142] : memref<6x128x64xf32, #tpu.memory_space<vmem>> -> memref<1x128x64xf32, #tpu.memory_space<vmem>>
    %dma_wait3A_144 = tpu.memref_squeeze %dma_wait3A_143 : memref<1x128x64xf32, #tpu.memory_space<vmem>> -> memref<128x64xf32, #tpu.memory_space<vmem>>
    tpu.wait_dma2 semaphore(%dma_wait3A_138 : memref<!tpu.dma_semaphore, #tpu.memory_space<semaphore_mem>>) src(%dma_wait3A_144 : memref<128x64xf32, #tpu.memory_space<vmem>>) dst(%dma_wait3A_140 : memref<128x64xf32, #tpu.memory_space<hbm>>)
    %dma_wait3A_145 = arith.constant 4 : i32
    %dma_wait3A_146 = arith.constant 4 : i32
    %dma_wait3A_147 = arith.constant 0 : i32
    %dma_wait3A_148 = arith.constant 0 : i32
    %dma_wait3A_149 = tpu.memref_slice %arg6[%dma_wait3A_145, %dma_wait3A_147, %dma_wait3A_148] : memref<6x128x64xf32, #tpu.memory_space<vmem>> -> memref<1x128x64xf32, #tpu.memory_space<vmem>>
    %dma_wait3A_150 = tpu.memref_squeeze %dma_wait3A_149 : memref<1x128x64xf32, #tpu.memory_space<vmem>> -> memref<128x64xf32, #tpu.memory_space<vmem>>
    %dma_wait3A_151 = arith.constant 0 : i32
    %dma_wait3A_152 = tpu.memref_slice %arg4[%mul3A_2, %dma_wait3A_151] : memref<196608x128xf32, #tpu.memory_space<hbm>> -> memref<128x64xf32, #tpu.memory_space<hbm>>
    %dma_wait3A_153 = tpu.memref_slice %arg8[%dma_wait3A_146] : memref<6x!tpu.dma_semaphore, #tpu.memory_space<semaphore_mem>> -> memref<1x!tpu.dma_semaphore, #tpu.memory_space<semaphore_mem>>
    %dma_wait3A_154 = tpu.memref_squeeze %dma_wait3A_153 : memref<1x!tpu.dma_semaphore, #tpu.memory_space<semaphore_mem>> -> memref<!tpu.dma_semaphore, #tpu.memory_space<semaphore_mem>>
    %dma_wait3A_155 = arith.constant 0 : i32
    %dma_wait3A_156 = tpu.memref_slice %arg4[%mul3A_2, %dma_wait3A_155] : memref<196608x128xf32, #tpu.memory_space<hbm>> -> memref<128x64xf32, #tpu.memory_space<hbm>>
    %dma_wait3A_157 = arith.constant 0 : i32
    %dma_wait3A_158 = arith.constant 0 : i32
    %dma_wait3A_159 = tpu.memref_slice %arg6[%dma_wait3A_145, %dma_wait3A_157, %dma_wait3A_158] : memref<6x128x64xf32, #tpu.memory_space<vmem>> -> memref<1x128x64xf32, #tpu.memory_space<vmem>>
    %dma_wait3A_160 = tpu.memref_squeeze %dma_wait3A_159 : memref<1x128x64xf32, #tpu.memory_space<vmem>> -> memref<128x64xf32, #tpu.memory_space<vmem>>
    tpu.wait_dma2 semaphore(%dma_wait3A_154 : memref<!tpu.dma_semaphore, #tpu.memory_space<semaphore_mem>>) src(%dma_wait3A_160 : memref<128x64xf32, #tpu.memory_space<vmem>>) dst(%dma_wait3A_156 : memref<128x64xf32, #tpu.memory_space<hbm>>)
    %dma_wait3A_161 = arith.constant 5 : i32
    %dma_wait3A_162 = arith.constant 5 : i32
    %dma_wait3A_163 = arith.constant 0 : i32
    %dma_wait3A_164 = arith.constant 0 : i32
    %dma_wait3A_165 = tpu.memref_slice %arg6[%dma_wait3A_161, %dma_wait3A_163, %dma_wait3A_164] : memref<6x128x64xf32, #tpu.memory_space<vmem>> -> memref<1x128x64xf32, #tpu.memory_space<vmem>>
    %dma_wait3A_166 = tpu.memref_squeeze %dma_wait3A_165 : memref<1x128x64xf32, #tpu.memory_space<vmem>> -> memref<128x64xf32, #tpu.memory_space<vmem>>
    %dma_wait3A_167 = arith.constant 0 : i32
    %dma_wait3A_168 = tpu.memref_slice %arg4[%mul3A_2, %dma_wait3A_167] : memref<196608x128xf32, #tpu.memory_space<hbm>> -> memref<128x64xf32, #tpu.memory_space<hbm>>
    %dma_wait3A_169 = tpu.memref_slice %arg8[%dma_wait3A_162] : memref<6x!tpu.dma_semaphore, #tpu.memory_space<semaphore_mem>> -> memref<1x!tpu.dma_semaphore, #tpu.memory_space<semaphore_mem>>
    %dma_wait3A_170 = tpu.memref_squeeze %dma_wait3A_169 : memref<1x!tpu.dma_semaphore, #tpu.memory_space<semaphore_mem>> -> memref<!tpu.dma_semaphore, #tpu.memory_space<semaphore_mem>>
    %dma_wait3A_171 = arith.constant 0 : i32
    %dma_wait3A_172 = tpu.memref_slice %arg4[%mul3A_2, %dma_wait3A_171] : memref<196608x128xf32, #tpu.memory_space<hbm>> -> memref<128x64xf32, #tpu.memory_space<hbm>>
    %dma_wait3A_173 = arith.constant 0 : i32
    %dma_wait3A_174 = arith.constant 0 : i32
    %dma_wait3A_175 = tpu.memref_slice %arg6[%dma_wait3A_161, %dma_wait3A_173, %dma_wait3A_174] : memref<6x128x64xf32, #tpu.memory_space<vmem>> -> memref<1x128x64xf32, #tpu.memory_space<vmem>>
    %dma_wait3A_176 = tpu.memref_squeeze %dma_wait3A_175 : memref<1x128x64xf32, #tpu.memory_space<vmem>> -> memref<128x64xf32, #tpu.memory_space<vmem>>
    tpu.wait_dma2 semaphore(%dma_wait3A_170 : memref<!tpu.dma_semaphore, #tpu.memory_space<semaphore_mem>>) src(%dma_wait3A_176 : memref<128x64xf32, #tpu.memory_space<vmem>>) dst(%dma_wait3A_172 : memref<128x64xf32, #tpu.memory_space<hbm>>)
    return
  }
}

#map = affine_map<(d0, d1) -> (0, 0, 0)>
#map1 = affine_map<(d0, d1) -> (0, 0)>
module attributes {stable_mosaic.version = 14 : i64} {
  func.func @sc_gather(%arg0: i32, %arg1: i32, %arg2: memref<32x75x128xi32, #tpu.memory_space<hbm>>, %arg3: memref<100000x64xf32, #tpu.memory_space<hbm>>, %arg4: memref<307200x128xf32, #tpu.memory_space<hbm>>, %arg5: memref<75x128xi32, #tpu.memory_space<vmem>>, %arg6: memref<6x128x64xf32, #tpu.memory_space<vmem>>, %arg7: memref<6x!tpu.dma_semaphore, #tpu.memory_space<semaphore_mem>>, %arg8: memref<6x!tpu.dma_semaphore, #tpu.memory_space<semaphore_mem>>) attributes {dimension_semantics = [#tpu.dimension_semantics<core_parallel>, #tpu.dimension_semantics<subcore_parallel>], iteration_bounds = array<i64: 2, 16>, scalar_prefetch = 0 : i64, scratch_operands = 4 : i64, tpu.core_type = #tpu.core_type<sc_vector_subcore>, window_params = [{transform_indices = #map}, {transform_indices = #map1}, {transform_indices = #map1}]} {
    %mul3A = arith.constant 2 : i32
    %mul3A_0 = arith.muli %arg1, %mul3A : i32
    %add3A = arith.addi %mul3A_0, %arg0 : i32
    %mul3A_1 = arith.constant 9600 : i32
    %mul3A_2 = arith.muli %add3A, %mul3A_1 : i32
    "tpu.region"() ({
      %run_scoped3A = tpu.sem_alloc : memref<!tpu.dma_semaphore, #tpu.memory_space<semaphore_mem>>
      %dma_start3A_177 = arith.constant 0 : i32
      %dma_start3A_178 = arith.constant 0 : i32
      %dma_start3A_179 = tpu.memref_slice %arg2[%add3A, %dma_start3A_177, %dma_start3A_178] : memref<32x75x128xi32, #tpu.memory_space<hbm>> -> memref<1x75x128xi32, #tpu.memory_space<hbm>>
      %dma_start3A_180 = tpu.memref_squeeze %dma_start3A_179 : memref<1x75x128xi32, #tpu.memory_space<hbm>> -> memref<75x128xi32, #tpu.memory_space<hbm>>
      %dma_start3A_181 = arith.constant 0 : i32
      %dma_start3A_182 = arith.constant 0 : i32
      %dma_start3A_183 = tpu.memref_slice %arg2[%add3A, %dma_start3A_181, %dma_start3A_182] : memref<32x75x128xi32, #tpu.memory_space<hbm>> -> memref<1x75x128xi32, #tpu.memory_space<hbm>>
      %dma_start3A_184 = tpu.memref_squeeze %dma_start3A_183 : memref<1x75x128xi32, #tpu.memory_space<hbm>> -> memref<75x128xi32, #tpu.memory_space<hbm>>
      tpu.enqueue_dma source(%dma_start3A_184 : memref<75x128xi32, #tpu.memory_space<hbm>>) target(%arg5 : memref<75x128xi32, #tpu.memory_space<vmem>>) target_semaphore(%run_scoped3A : memref<!tpu.dma_semaphore, #tpu.memory_space<semaphore_mem>>)
      %dma_wait3A_185 = arith.constant 0 : i32
      %dma_wait3A_186 = arith.constant 0 : i32
      %dma_wait3A_187 = tpu.memref_slice %arg2[%add3A, %dma_wait3A_185, %dma_wait3A_186] : memref<32x75x128xi32, #tpu.memory_space<hbm>> -> memref<1x75x128xi32, #tpu.memory_space<hbm>>
      %dma_wait3A_188 = tpu.memref_squeeze %dma_wait3A_187 : memref<1x75x128xi32, #tpu.memory_space<hbm>> -> memref<75x128xi32, #tpu.memory_space<hbm>>
      %dma_wait3A_189 = arith.constant 0 : i32
      %dma_wait3A_190 = arith.constant 0 : i32
      %dma_wait3A_191 = tpu.memref_slice %arg2[%add3A, %dma_wait3A_189, %dma_wait3A_190] : memref<32x75x128xi32, #tpu.memory_space<hbm>> -> memref<1x75x128xi32, #tpu.memory_space<hbm>>
      %dma_wait3A_192 = tpu.memref_squeeze %dma_wait3A_191 : memref<1x75x128xi32, #tpu.memory_space<hbm>> -> memref<75x128xi32, #tpu.memory_space<hbm>>
      tpu.wait_dma2 semaphore(%run_scoped3A : memref<!tpu.dma_semaphore, #tpu.memory_space<semaphore_mem>>) src(%dma_wait3A_192 : memref<75x128xi32, #tpu.memory_space<hbm>>) dst(%arg5 : memref<75x128xi32, #tpu.memory_space<vmem>>)
      tpu.yield
    }) : () -> ()
    %dma_start3A = arith.constant 0 : i32
    %dma_start3A_3 = arith.constant 0 : i32
    %dma_start3A_4 = arith.constant 0 : i32
    %dma_start3A_5 = arith.constant 0 : i32
    %dma_start3A_6 = arith.constant 0 : i32
    %dma_start3A_7 = tpu.memref_slice %arg6[%dma_start3A_3, %dma_start3A_5, %dma_start3A_6] : memref<6x128x64xf32, #tpu.memory_space<vmem>> -> memref<1x128x64xf32, #tpu.memory_space<vmem>>
    %dma_start3A_8 = tpu.memref_squeeze %dma_start3A_7 : memref<1x128x64xf32, #tpu.memory_space<vmem>> -> memref<128x64xf32, #tpu.memory_space<vmem>>
    %dma_start3A_9 = arith.constant 0 : i32
    %dma_start3A_10 = tpu.memref_slice %arg5[%dma_start3A, %dma_start3A_9] : memref<75x128xi32, #tpu.memory_space<vmem>> -> memref<1x128xi32, #tpu.memory_space<vmem>>
    %dma_start3A_11 = tpu.memref_squeeze %dma_start3A_10 : memref<1x128xi32, #tpu.memory_space<vmem>> -> memref<128xi32, #tpu.memory_space<vmem>>
    %dma_start3A_12 = arith.constant 0 : i32
    %dma_start3A_13 = arith.constant 0 : i32
    %dma_start3A_14 = tpu.memref_slice %arg3[%dma_start3A_12, %dma_start3A_13] : memref<100000x64xf32, #tpu.memory_space<hbm>> -> memref<100000x64xf32, #tpu.memory_space<hbm>>
    %dma_start3A_15 = tpu.memref_slice %arg7[%dma_start3A_4] : memref<6x!tpu.dma_semaphore, #tpu.memory_space<semaphore_mem>> -> memref<1x!tpu.dma_semaphore, #tpu.memory_space<semaphore_mem>>
    %dma_start3A_16 = tpu.memref_squeeze %dma_start3A_15 : memref<1x!tpu.dma_semaphore, #tpu.memory_space<semaphore_mem>> -> memref<!tpu.dma_semaphore, #tpu.memory_space<semaphore_mem>>
    tpu.enqueue_indirect_dma source(%dma_start3A_14 : memref<100000x64xf32, #tpu.memory_space<hbm>>) target(%dma_start3A_8 : memref<128x64xf32, #tpu.memory_space<vmem>>) offsets(%dma_start3A_11 : memref<128xi32, #tpu.memory_space<vmem>>) semaphore(%dma_start3A_16 : memref<!tpu.dma_semaphore, #tpu.memory_space<semaphore_mem>>)
    %dma_start3A_17 = arith.constant 1 : i32
    %dma_start3A_18 = arith.constant 1 : i32
    %dma_start3A_19 = arith.constant 1 : i32
    %dma_start3A_20 = arith.constant 0 : i32
    %dma_start3A_21 = arith.constant 0 : i32
    %dma_start3A_22 = tpu.memref_slice %arg6[%dma_start3A_18, %dma_start3A_20, %dma_start3A_21] : memref<6x128x64xf32, #tpu.memory_space<vmem>> -> memref<1x128x64xf32, #tpu.memory_space<vmem>>
    %dma_start3A_23 = tpu.memref_squeeze %dma_start3A_22 : memref<1x128x64xf32, #tpu.memory_space<vmem>> -> memref<128x64xf32, #tpu.memory_space<vmem>>
    %dma_start3A_24 = arith.constant 0 : i32
    %dma_start3A_25 = tpu.memref_slice %arg5[%dma_start3A_17, %dma_start3A_24] : memref<75x128xi32, #tpu.memory_space<vmem>> -> memref<1x128xi32, #tpu.memory_space<vmem>>
    %dma_start3A_26 = tpu.memref_squeeze %dma_start3A_25 : memref<1x128xi32, #tpu.memory_space<vmem>> -> memref<128xi32, #tpu.memory_space<vmem>>
    %dma_start3A_27 = arith.constant 0 : i32
    %dma_start3A_28 = arith.constant 0 : i32
    %dma_start3A_29 = tpu.memref_slice %arg3[%dma_start3A_27, %dma_start3A_28] : memref<100000x64xf32, #tpu.memory_space<hbm>> -> memref<100000x64xf32, #tpu.memory_space<hbm>>
    %dma_start3A_30 = tpu.memref_slice %arg7[%dma_start3A_19] : memref<6x!tpu.dma_semaphore, #tpu.memory_space<semaphore_mem>> -> memref<1x!tpu.dma_semaphore, #tpu.memory_space<semaphore_mem>>
    %dma_start3A_31 = tpu.memref_squeeze %dma_start3A_30 : memref<1x!tpu.dma_semaphore, #tpu.memory_space<semaphore_mem>> -> memref<!tpu.dma_semaphore, #tpu.memory_space<semaphore_mem>>
    tpu.enqueue_indirect_dma source(%dma_start3A_29 : memref<100000x64xf32, #tpu.memory_space<hbm>>) target(%dma_start3A_23 : memref<128x64xf32, #tpu.memory_space<vmem>>) offsets(%dma_start3A_26 : memref<128xi32, #tpu.memory_space<vmem>>) semaphore(%dma_start3A_31 : memref<!tpu.dma_semaphore, #tpu.memory_space<semaphore_mem>>)
    %dma_start3A_32 = arith.constant 2 : i32
    %dma_start3A_33 = arith.constant 2 : i32
    %dma_start3A_34 = arith.constant 2 : i32
    %dma_start3A_35 = arith.constant 0 : i32
    %dma_start3A_36 = arith.constant 0 : i32
    %dma_start3A_37 = tpu.memref_slice %arg6[%dma_start3A_33, %dma_start3A_35, %dma_start3A_36] : memref<6x128x64xf32, #tpu.memory_space<vmem>> -> memref<1x128x64xf32, #tpu.memory_space<vmem>>
    %dma_start3A_38 = tpu.memref_squeeze %dma_start3A_37 : memref<1x128x64xf32, #tpu.memory_space<vmem>> -> memref<128x64xf32, #tpu.memory_space<vmem>>
    %dma_start3A_39 = arith.constant 0 : i32
    %dma_start3A_40 = tpu.memref_slice %arg5[%dma_start3A_32, %dma_start3A_39] : memref<75x128xi32, #tpu.memory_space<vmem>> -> memref<1x128xi32, #tpu.memory_space<vmem>>
    %dma_start3A_41 = tpu.memref_squeeze %dma_start3A_40 : memref<1x128xi32, #tpu.memory_space<vmem>> -> memref<128xi32, #tpu.memory_space<vmem>>
    %dma_start3A_42 = arith.constant 0 : i32
    %dma_start3A_43 = arith.constant 0 : i32
    %dma_start3A_44 = tpu.memref_slice %arg3[%dma_start3A_42, %dma_start3A_43] : memref<100000x64xf32, #tpu.memory_space<hbm>> -> memref<100000x64xf32, #tpu.memory_space<hbm>>
    %dma_start3A_45 = tpu.memref_slice %arg7[%dma_start3A_34] : memref<6x!tpu.dma_semaphore, #tpu.memory_space<semaphore_mem>> -> memref<1x!tpu.dma_semaphore, #tpu.memory_space<semaphore_mem>>
    %dma_start3A_46 = tpu.memref_squeeze %dma_start3A_45 : memref<1x!tpu.dma_semaphore, #tpu.memory_space<semaphore_mem>> -> memref<!tpu.dma_semaphore, #tpu.memory_space<semaphore_mem>>
    tpu.enqueue_indirect_dma source(%dma_start3A_44 : memref<100000x64xf32, #tpu.memory_space<hbm>>) target(%dma_start3A_38 : memref<128x64xf32, #tpu.memory_space<vmem>>) offsets(%dma_start3A_41 : memref<128xi32, #tpu.memory_space<vmem>>) semaphore(%dma_start3A_46 : memref<!tpu.dma_semaphore, #tpu.memory_space<semaphore_mem>>)
    %dma_start3A_47 = arith.constant 3 : i32
    %dma_start3A_48 = arith.constant 3 : i32
    %dma_start3A_49 = arith.constant 3 : i32
    %dma_start3A_50 = arith.constant 0 : i32
    %dma_start3A_51 = arith.constant 0 : i32
    %dma_start3A_52 = tpu.memref_slice %arg6[%dma_start3A_48, %dma_start3A_50, %dma_start3A_51] : memref<6x128x64xf32, #tpu.memory_space<vmem>> -> memref<1x128x64xf32, #tpu.memory_space<vmem>>
    %dma_start3A_53 = tpu.memref_squeeze %dma_start3A_52 : memref<1x128x64xf32, #tpu.memory_space<vmem>> -> memref<128x64xf32, #tpu.memory_space<vmem>>
    %dma_start3A_54 = arith.constant 0 : i32
    %dma_start3A_55 = tpu.memref_slice %arg5[%dma_start3A_47, %dma_start3A_54] : memref<75x128xi32, #tpu.memory_space<vmem>> -> memref<1x128xi32, #tpu.memory_space<vmem>>
    %dma_start3A_56 = tpu.memref_squeeze %dma_start3A_55 : memref<1x128xi32, #tpu.memory_space<vmem>> -> memref<128xi32, #tpu.memory_space<vmem>>
    %dma_start3A_57 = arith.constant 0 : i32
    %dma_start3A_58 = arith.constant 0 : i32
    %dma_start3A_59 = tpu.memref_slice %arg3[%dma_start3A_57, %dma_start3A_58] : memref<100000x64xf32, #tpu.memory_space<hbm>> -> memref<100000x64xf32, #tpu.memory_space<hbm>>
    %dma_start3A_60 = tpu.memref_slice %arg7[%dma_start3A_49] : memref<6x!tpu.dma_semaphore, #tpu.memory_space<semaphore_mem>> -> memref<1x!tpu.dma_semaphore, #tpu.memory_space<semaphore_mem>>
    %dma_start3A_61 = tpu.memref_squeeze %dma_start3A_60 : memref<1x!tpu.dma_semaphore, #tpu.memory_space<semaphore_mem>> -> memref<!tpu.dma_semaphore, #tpu.memory_space<semaphore_mem>>
    tpu.enqueue_indirect_dma source(%dma_start3A_59 : memref<100000x64xf32, #tpu.memory_space<hbm>>) target(%dma_start3A_53 : memref<128x64xf32, #tpu.memory_space<vmem>>) offsets(%dma_start3A_56 : memref<128xi32, #tpu.memory_space<vmem>>) semaphore(%dma_start3A_61 : memref<!tpu.dma_semaphore, #tpu.memory_space<semaphore_mem>>)
    %dma_start3A_62 = arith.constant 4 : i32
    %dma_start3A_63 = arith.constant 4 : i32
    %dma_start3A_64 = arith.constant 4 : i32
    %dma_start3A_65 = arith.constant 0 : i32
    %dma_start3A_66 = arith.constant 0 : i32
    %dma_start3A_67 = tpu.memref_slice %arg6[%dma_start3A_63, %dma_start3A_65, %dma_start3A_66] : memref<6x128x64xf32, #tpu.memory_space<vmem>> -> memref<1x128x64xf32, #tpu.memory_space<vmem>>
    %dma_start3A_68 = tpu.memref_squeeze %dma_start3A_67 : memref<1x128x64xf32, #tpu.memory_space<vmem>> -> memref<128x64xf32, #tpu.memory_space<vmem>>
    %dma_start3A_69 = arith.constant 0 : i32
    %dma_start3A_70 = tpu.memref_slice %arg5[%dma_start3A_62, %dma_start3A_69] : memref<75x128xi32, #tpu.memory_space<vmem>> -> memref<1x128xi32, #tpu.memory_space<vmem>>
    %dma_start3A_71 = tpu.memref_squeeze %dma_start3A_70 : memref<1x128xi32, #tpu.memory_space<vmem>> -> memref<128xi32, #tpu.memory_space<vmem>>
    %dma_start3A_72 = arith.constant 0 : i32
    %dma_start3A_73 = arith.constant 0 : i32
    %dma_start3A_74 = tpu.memref_slice %arg3[%dma_start3A_72, %dma_start3A_73] : memref<100000x64xf32, #tpu.memory_space<hbm>> -> memref<100000x64xf32, #tpu.memory_space<hbm>>
    %dma_start3A_75 = tpu.memref_slice %arg7[%dma_start3A_64] : memref<6x!tpu.dma_semaphore, #tpu.memory_space<semaphore_mem>> -> memref<1x!tpu.dma_semaphore, #tpu.memory_space<semaphore_mem>>
    %dma_start3A_76 = tpu.memref_squeeze %dma_start3A_75 : memref<1x!tpu.dma_semaphore, #tpu.memory_space<semaphore_mem>> -> memref<!tpu.dma_semaphore, #tpu.memory_space<semaphore_mem>>
    tpu.enqueue_indirect_dma source(%dma_start3A_74 : memref<100000x64xf32, #tpu.memory_space<hbm>>) target(%dma_start3A_68 : memref<128x64xf32, #tpu.memory_space<vmem>>) offsets(%dma_start3A_71 : memref<128xi32, #tpu.memory_space<vmem>>) semaphore(%dma_start3A_76 : memref<!tpu.dma_semaphore, #tpu.memory_space<semaphore_mem>>)
    %scan3A = arith.constant 0 : i32
    %scan3A_77 = arith.constant 0 : i32
    %scan3A_78 = arith.constant 75 : i32
    %scan3A_79 = arith.addi %scan3A_77, %scan3A_78 : i32
    %scan3A_80 = arith.constant 1 : i32
    scf.for %scan3A_177 = %scan3A_77 to %scan3A_79 step %scan3A_80  : i32 {
      %rem3A = arith.constant 6 : i32
      %rem3A_178 = arith.remsi %scan3A_177, %rem3A : i32
      %add3A_179 = arith.constant 6 : i32
      %add3A_180 = arith.addi %scan3A_177, %add3A_179 : i32
      %sub3A = arith.constant 1 : i32
      %sub3A_181 = arith.subi %add3A_180, %sub3A : i32
      %rem3A_182 = arith.constant 6 : i32
      %rem3A_183 = arith.remsi %sub3A_181, %rem3A_182 : i32
      %dma_wait3A_184 = arith.constant 0 : i32
      %dma_wait3A_185 = arith.constant 0 : i32
      %dma_wait3A_186 = tpu.memref_slice %arg6[%rem3A_178, %dma_wait3A_184, %dma_wait3A_185] : memref<6x128x64xf32, #tpu.memory_space<vmem>> -> memref<1x128x64xf32, #tpu.memory_space<vmem>>
      %dma_wait3A_187 = tpu.memref_squeeze %dma_wait3A_186 : memref<1x128x64xf32, #tpu.memory_space<vmem>> -> memref<128x64xf32, #tpu.memory_space<vmem>>
      %dma_wait3A_188 = arith.constant 0 : i32
      %dma_wait3A_189 = tpu.memref_slice %arg4[%mul3A_2, %dma_wait3A_188] : memref<307200x128xf32, #tpu.memory_space<hbm>> -> memref<128x64xf32, #tpu.memory_space<hbm>>
      %dma_wait3A_190 = tpu.memref_slice %arg7[%rem3A_178] : memref<6x!tpu.dma_semaphore, #tpu.memory_space<semaphore_mem>> -> memref<1x!tpu.dma_semaphore, #tpu.memory_space<semaphore_mem>>
      %dma_wait3A_191 = tpu.memref_squeeze %dma_wait3A_190 : memref<1x!tpu.dma_semaphore, #tpu.memory_space<semaphore_mem>> -> memref<!tpu.dma_semaphore, #tpu.memory_space<semaphore_mem>>
      %dma_wait3A_192 = arith.constant 0 : i32
      %dma_wait3A_193 = tpu.memref_slice %arg4[%mul3A_2, %dma_wait3A_192] : memref<307200x128xf32, #tpu.memory_space<hbm>> -> memref<128x64xf32, #tpu.memory_space<hbm>>
      %dma_wait3A_194 = arith.constant 0 : i32
      %dma_wait3A_195 = arith.constant 0 : i32
      %dma_wait3A_196 = tpu.memref_slice %arg6[%rem3A_178, %dma_wait3A_194, %dma_wait3A_195] : memref<6x128x64xf32, #tpu.memory_space<vmem>> -> memref<1x128x64xf32, #tpu.memory_space<vmem>>
      %dma_wait3A_197 = tpu.memref_squeeze %dma_wait3A_196 : memref<1x128x64xf32, #tpu.memory_space<vmem>> -> memref<128x64xf32, #tpu.memory_space<vmem>>
      tpu.wait_dma2 semaphore(%dma_wait3A_191 : memref<!tpu.dma_semaphore, #tpu.memory_space<semaphore_mem>>) src(%dma_wait3A_197 : memref<128x64xf32, #tpu.memory_space<vmem>>) dst(%dma_wait3A_193 : memref<128x64xf32, #tpu.memory_space<hbm>>)
      %mul3A_198 = arith.constant 128 : i32
      %mul3A_199 = arith.muli %scan3A_177, %mul3A_198 : i32
      %add3A_200 = arith.addi %mul3A_2, %mul3A_199 : i32
      %dma_start3A_201 = arith.constant 0 : i32
      %dma_start3A_202 = arith.constant 0 : i32
      %dma_start3A_203 = tpu.memref_slice %arg6[%rem3A_178, %dma_start3A_201, %dma_start3A_202] : memref<6x128x64xf32, #tpu.memory_space<vmem>> -> memref<1x128x64xf32, #tpu.memory_space<vmem>>
      %dma_start3A_204 = tpu.memref_squeeze %dma_start3A_203 : memref<1x128x64xf32, #tpu.memory_space<vmem>> -> memref<128x64xf32, #tpu.memory_space<vmem>>
      %dma_start3A_205 = arith.constant 0 : i32
      %dma_start3A_206 = tpu.memref_slice %arg4[%add3A_200, %dma_start3A_205] : memref<307200x128xf32, #tpu.memory_space<hbm>> -> memref<128x64xf32, #tpu.memory_space<hbm>>
      %dma_start3A_207 = tpu.memref_slice %arg8[%rem3A_178] : memref<6x!tpu.dma_semaphore, #tpu.memory_space<semaphore_mem>> -> memref<1x!tpu.dma_semaphore, #tpu.memory_space<semaphore_mem>>
      %dma_start3A_208 = tpu.memref_squeeze %dma_start3A_207 : memref<1x!tpu.dma_semaphore, #tpu.memory_space<semaphore_mem>> -> memref<!tpu.dma_semaphore, #tpu.memory_space<semaphore_mem>>
      %dma_start3A_209 = arith.constant 0 : i32
      %dma_start3A_210 = tpu.memref_slice %arg4[%add3A_200, %dma_start3A_209] : memref<307200x128xf32, #tpu.memory_space<hbm>> -> memref<128x64xf32, #tpu.memory_space<hbm>>
      %dma_start3A_211 = arith.constant 0 : i32
      %dma_start3A_212 = arith.constant 0 : i32
      %dma_start3A_213 = tpu.memref_slice %arg6[%rem3A_178, %dma_start3A_211, %dma_start3A_212] : memref<6x128x64xf32, #tpu.memory_space<vmem>> -> memref<1x128x64xf32, #tpu.memory_space<vmem>>
      %dma_start3A_214 = tpu.memref_squeeze %dma_start3A_213 : memref<1x128x64xf32, #tpu.memory_space<vmem>> -> memref<128x64xf32, #tpu.memory_space<vmem>>
      tpu.enqueue_dma source(%dma_start3A_214 : memref<128x64xf32, #tpu.memory_space<vmem>>) target(%dma_start3A_210 : memref<128x64xf32, #tpu.memory_space<hbm>>) target_semaphore(%dma_start3A_208 : memref<!tpu.dma_semaphore, #tpu.memory_space<semaphore_mem>>)
      %ge3A = arith.constant 1 : i32
      %ge3A_215 = arith.cmpi sge, %scan3A_177, %ge3A : i32
      %add3A_216 = arith.constant 6 : i32
      %add3A_217 = arith.addi %scan3A_177, %add3A_216 : i32
      %sub3A_218 = arith.constant 1 : i32
      %sub3A_219 = arith.subi %add3A_217, %sub3A_218 : i32
      %lt3A = arith.constant 75 : i32
      %lt3A_220 = arith.cmpi slt, %sub3A_219, %lt3A : i32
      %and3A = arith.andi %ge3A_215, %lt3A_220 : i1
      %convert_element_type3A = arith.extui %and3A : i1 to i32
      %cond3A = arith.constant 0 : i32
      %cond3A_221 = arith.cmpi ne, %convert_element_type3A, %cond3A : i32
      scf.if %cond3A_221 {
        %mul3A_231 = arith.constant 128 : i32
        %mul3A_232 = arith.muli %scan3A_177, %mul3A_231 : i32
        %add3A_233 = arith.addi %mul3A_2, %mul3A_232 : i32
        %dma_wait3A_234 = arith.constant 0 : i32
        %dma_wait3A_235 = arith.constant 0 : i32
        %dma_wait3A_236 = tpu.memref_slice %arg6[%rem3A_183, %dma_wait3A_234, %dma_wait3A_235] : memref<6x128x64xf32, #tpu.memory_space<vmem>> -> memref<1x128x64xf32, #tpu.memory_space<vmem>>
        %dma_wait3A_237 = tpu.memref_squeeze %dma_wait3A_236 : memref<1x128x64xf32, #tpu.memory_space<vmem>> -> memref<128x64xf32, #tpu.memory_space<vmem>>
        %dma_wait3A_238 = arith.constant 0 : i32
        %dma_wait3A_239 = tpu.memref_slice %arg4[%add3A_233, %dma_wait3A_238] : memref<307200x128xf32, #tpu.memory_space<hbm>> -> memref<128x64xf32, #tpu.memory_space<hbm>>
        %dma_wait3A_240 = tpu.memref_slice %arg8[%rem3A_183] : memref<6x!tpu.dma_semaphore, #tpu.memory_space<semaphore_mem>> -> memref<1x!tpu.dma_semaphore, #tpu.memory_space<semaphore_mem>>
        %dma_wait3A_241 = tpu.memref_squeeze %dma_wait3A_240 : memref<1x!tpu.dma_semaphore, #tpu.memory_space<semaphore_mem>> -> memref<!tpu.dma_semaphore, #tpu.memory_space<semaphore_mem>>
        %dma_wait3A_242 = arith.constant 0 : i32
        %dma_wait3A_243 = tpu.memref_slice %arg4[%add3A_233, %dma_wait3A_242] : memref<307200x128xf32, #tpu.memory_space<hbm>> -> memref<128x64xf32, #tpu.memory_space<hbm>>
        %dma_wait3A_244 = arith.constant 0 : i32
        %dma_wait3A_245 = arith.constant 0 : i32
        %dma_wait3A_246 = tpu.memref_slice %arg6[%rem3A_183, %dma_wait3A_244, %dma_wait3A_245] : memref<6x128x64xf32, #tpu.memory_space<vmem>> -> memref<1x128x64xf32, #tpu.memory_space<vmem>>
        %dma_wait3A_247 = tpu.memref_squeeze %dma_wait3A_246 : memref<1x128x64xf32, #tpu.memory_space<vmem>> -> memref<128x64xf32, #tpu.memory_space<vmem>>
        tpu.wait_dma2 semaphore(%dma_wait3A_241 : memref<!tpu.dma_semaphore, #tpu.memory_space<semaphore_mem>>) src(%dma_wait3A_247 : memref<128x64xf32, #tpu.memory_space<vmem>>) dst(%dma_wait3A_243 : memref<128x64xf32, #tpu.memory_space<hbm>>)
      } else {
      }
      %add3A_222 = arith.constant 6 : i32
      %add3A_223 = arith.addi %scan3A_177, %add3A_222 : i32
      %sub3A_224 = arith.constant 1 : i32
      %sub3A_225 = arith.subi %add3A_223, %sub3A_224 : i32
      %lt3A_226 = arith.constant 75 : i32
      %lt3A_227 = arith.cmpi slt, %sub3A_225, %lt3A_226 : i32
      %convert_element_type3A_228 = arith.extui %lt3A_227 : i1 to i32
      %cond3A_229 = arith.constant 0 : i32
      %cond3A_230 = arith.cmpi ne, %convert_element_type3A_228, %cond3A_229 : i32
      scf.if %cond3A_230 {
        %add3A_231 = arith.constant 6 : i32
        %add3A_232 = arith.addi %scan3A_177, %add3A_231 : i32
        %sub3A_233 = arith.constant 1 : i32
        %sub3A_234 = arith.subi %add3A_232, %sub3A_233 : i32
        %dma_start3A_235 = arith.constant 0 : i32
        %dma_start3A_236 = arith.constant 0 : i32
        %dma_start3A_237 = tpu.memref_slice %arg6[%rem3A_183, %dma_start3A_235, %dma_start3A_236] : memref<6x128x64xf32, #tpu.memory_space<vmem>> -> memref<1x128x64xf32, #tpu.memory_space<vmem>>
        %dma_start3A_238 = tpu.memref_squeeze %dma_start3A_237 : memref<1x128x64xf32, #tpu.memory_space<vmem>> -> memref<128x64xf32, #tpu.memory_space<vmem>>
        %dma_start3A_239 = arith.constant 0 : i32
        %dma_start3A_240 = tpu.memref_slice %arg5[%sub3A_234, %dma_start3A_239] : memref<75x128xi32, #tpu.memory_space<vmem>> -> memref<1x128xi32, #tpu.memory_space<vmem>>
        %dma_start3A_241 = tpu.memref_squeeze %dma_start3A_240 : memref<1x128xi32, #tpu.memory_space<vmem>> -> memref<128xi32, #tpu.memory_space<vmem>>
        %dma_start3A_242 = arith.constant 0 : i32
        %dma_start3A_243 = arith.constant 0 : i32
        %dma_start3A_244 = tpu.memref_slice %arg3[%dma_start3A_242, %dma_start3A_243] : memref<100000x64xf32, #tpu.memory_space<hbm>> -> memref<100000x64xf32, #tpu.memory_space<hbm>>
        %dma_start3A_245 = tpu.memref_slice %arg7[%rem3A_183] : memref<6x!tpu.dma_semaphore, #tpu.memory_space<semaphore_mem>> -> memref<1x!tpu.dma_semaphore, #tpu.memory_space<semaphore_mem>>
        %dma_start3A_246 = tpu.memref_squeeze %dma_start3A_245 : memref<1x!tpu.dma_semaphore, #tpu.memory_space<semaphore_mem>> -> memref<!tpu.dma_semaphore, #tpu.memory_space<semaphore_mem>>
        tpu.enqueue_indirect_dma source(%dma_start3A_244 : memref<100000x64xf32, #tpu.memory_space<hbm>>) target(%dma_start3A_238 : memref<128x64xf32, #tpu.memory_space<vmem>>) offsets(%dma_start3A_241 : memref<128xi32, #tpu.memory_space<vmem>>) semaphore(%dma_start3A_246 : memref<!tpu.dma_semaphore, #tpu.memory_space<semaphore_mem>>)
      } else {
      }
    }
    %scan3A_81 = arith.constant 75 : i32
    %dma_wait3A = arith.constant 0 : i32
    %dma_wait3A_82 = arith.constant 0 : i32
    %dma_wait3A_83 = arith.constant 0 : i32
    %dma_wait3A_84 = arith.constant 0 : i32
    %dma_wait3A_85 = tpu.memref_slice %arg6[%dma_wait3A, %dma_wait3A_83, %dma_wait3A_84] : memref<6x128x64xf32, #tpu.memory_space<vmem>> -> memref<1x128x64xf32, #tpu.memory_space<vmem>>
    %dma_wait3A_86 = tpu.memref_squeeze %dma_wait3A_85 : memref<1x128x64xf32, #tpu.memory_space<vmem>> -> memref<128x64xf32, #tpu.memory_space<vmem>>
    %dma_wait3A_87 = arith.constant 0 : i32
    %dma_wait3A_88 = tpu.memref_slice %arg4[%mul3A_2, %dma_wait3A_87] : memref<307200x128xf32, #tpu.memory_space<hbm>> -> memref<128x64xf32, #tpu.memory_space<hbm>>
    %dma_wait3A_89 = tpu.memref_slice %arg8[%dma_wait3A_82] : memref<6x!tpu.dma_semaphore, #tpu.memory_space<semaphore_mem>> -> memref<1x!tpu.dma_semaphore, #tpu.memory_space<semaphore_mem>>
    %dma_wait3A_90 = tpu.memref_squeeze %dma_wait3A_89 : memref<1x!tpu.dma_semaphore, #tpu.memory_space<semaphore_mem>> -> memref<!tpu.dma_semaphore, #tpu.memory_space<semaphore_mem>>
    %dma_wait3A_91 = arith.constant 0 : i32
    %dma_wait3A_92 = tpu.memref_slice %arg4[%mul3A_2, %dma_wait3A_91] : memref<307200x128xf32, #tpu.memory_space<hbm>> -> memref<128x64xf32, #tpu.memory_space<hbm>>
    %dma_wait3A_93 = arith.constant 0 : i32
    %dma_wait3A_94 = arith.constant 0 : i32
    %dma_wait3A_95 = tpu.memref_slice %arg6[%dma_wait3A, %dma_wait3A_93, %dma_wait3A_94] : memref<6x128x64xf32, #tpu.memory_space<vmem>> -> memref<1x128x64xf32, #tpu.memory_space<vmem>>
    %dma_wait3A_96 = tpu.memref_squeeze %dma_wait3A_95 : memref<1x128x64xf32, #tpu.memory_space<vmem>> -> memref<128x64xf32, #tpu.memory_space<vmem>>
    tpu.wait_dma2 semaphore(%dma_wait3A_90 : memref<!tpu.dma_semaphore, #tpu.memory_space<semaphore_mem>>) src(%dma_wait3A_96 : memref<128x64xf32, #tpu.memory_space<vmem>>) dst(%dma_wait3A_92 : memref<128x64xf32, #tpu.memory_space<hbm>>)
    %dma_wait3A_97 = arith.constant 1 : i32
    %dma_wait3A_98 = arith.constant 1 : i32
    %dma_wait3A_99 = arith.constant 0 : i32
    %dma_wait3A_100 = arith.constant 0 : i32
    %dma_wait3A_101 = tpu.memref_slice %arg6[%dma_wait3A_97, %dma_wait3A_99, %dma_wait3A_100] : memref<6x128x64xf32, #tpu.memory_space<vmem>> -> memref<1x128x64xf32, #tpu.memory_space<vmem>>
    %dma_wait3A_102 = tpu.memref_squeeze %dma_wait3A_101 : memref<1x128x64xf32, #tpu.memory_space<vmem>> -> memref<128x64xf32, #tpu.memory_space<vmem>>
    %dma_wait3A_103 = arith.constant 0 : i32
    %dma_wait3A_104 = tpu.memref_slice %arg4[%mul3A_2, %dma_wait3A_103] : memref<307200x128xf32, #tpu.memory_space<hbm>> -> memref<128x64xf32, #tpu.memory_space<hbm>>
    %dma_wait3A_105 = tpu.memref_slice %arg8[%dma_wait3A_98] : memref<6x!tpu.dma_semaphore, #tpu.memory_space<semaphore_mem>> -> memref<1x!tpu.dma_semaphore, #tpu.memory_space<semaphore_mem>>
    %dma_wait3A_106 = tpu.memref_squeeze %dma_wait3A_105 : memref<1x!tpu.dma_semaphore, #tpu.memory_space<semaphore_mem>> -> memref<!tpu.dma_semaphore, #tpu.memory_space<semaphore_mem>>
    %dma_wait3A_107 = arith.constant 0 : i32
    %dma_wait3A_108 = tpu.memref_slice %arg4[%mul3A_2, %dma_wait3A_107] : memref<307200x128xf32, #tpu.memory_space<hbm>> -> memref<128x64xf32, #tpu.memory_space<hbm>>
    %dma_wait3A_109 = arith.constant 0 : i32
    %dma_wait3A_110 = arith.constant 0 : i32
    %dma_wait3A_111 = tpu.memref_slice %arg6[%dma_wait3A_97, %dma_wait3A_109, %dma_wait3A_110] : memref<6x128x64xf32, #tpu.memory_space<vmem>> -> memref<1x128x64xf32, #tpu.memory_space<vmem>>
    %dma_wait3A_112 = tpu.memref_squeeze %dma_wait3A_111 : memref<1x128x64xf32, #tpu.memory_space<vmem>> -> memref<128x64xf32, #tpu.memory_space<vmem>>
    tpu.wait_dma2 semaphore(%dma_wait3A_106 : memref<!tpu.dma_semaphore, #tpu.memory_space<semaphore_mem>>) src(%dma_wait3A_112 : memref<128x64xf32, #tpu.memory_space<vmem>>) dst(%dma_wait3A_108 : memref<128x64xf32, #tpu.memory_space<hbm>>)
    %dma_wait3A_113 = arith.constant 2 : i32
    %dma_wait3A_114 = arith.constant 2 : i32
    %dma_wait3A_115 = arith.constant 0 : i32
    %dma_wait3A_116 = arith.constant 0 : i32
    %dma_wait3A_117 = tpu.memref_slice %arg6[%dma_wait3A_113, %dma_wait3A_115, %dma_wait3A_116] : memref<6x128x64xf32, #tpu.memory_space<vmem>> -> memref<1x128x64xf32, #tpu.memory_space<vmem>>
    %dma_wait3A_118 = tpu.memref_squeeze %dma_wait3A_117 : memref<1x128x64xf32, #tpu.memory_space<vmem>> -> memref<128x64xf32, #tpu.memory_space<vmem>>
    %dma_wait3A_119 = arith.constant 0 : i32
    %dma_wait3A_120 = tpu.memref_slice %arg4[%mul3A_2, %dma_wait3A_119] : memref<307200x128xf32, #tpu.memory_space<hbm>> -> memref<128x64xf32, #tpu.memory_space<hbm>>
    %dma_wait3A_121 = tpu.memref_slice %arg8[%dma_wait3A_114] : memref<6x!tpu.dma_semaphore, #tpu.memory_space<semaphore_mem>> -> memref<1x!tpu.dma_semaphore, #tpu.memory_space<semaphore_mem>>
    %dma_wait3A_122 = tpu.memref_squeeze %dma_wait3A_121 : memref<1x!tpu.dma_semaphore, #tpu.memory_space<semaphore_mem>> -> memref<!tpu.dma_semaphore, #tpu.memory_space<semaphore_mem>>
    %dma_wait3A_123 = arith.constant 0 : i32
    %dma_wait3A_124 = tpu.memref_slice %arg4[%mul3A_2, %dma_wait3A_123] : memref<307200x128xf32, #tpu.memory_space<hbm>> -> memref<128x64xf32, #tpu.memory_space<hbm>>
    %dma_wait3A_125 = arith.constant 0 : i32
    %dma_wait3A_126 = arith.constant 0 : i32
    %dma_wait3A_127 = tpu.memref_slice %arg6[%dma_wait3A_113, %dma_wait3A_125, %dma_wait3A_126] : memref<6x128x64xf32, #tpu.memory_space<vmem>> -> memref<1x128x64xf32, #tpu.memory_space<vmem>>
    %dma_wait3A_128 = tpu.memref_squeeze %dma_wait3A_127 : memref<1x128x64xf32, #tpu.memory_space<vmem>> -> memref<128x64xf32, #tpu.memory_space<vmem>>
    tpu.wait_dma2 semaphore(%dma_wait3A_122 : memref<!tpu.dma_semaphore, #tpu.memory_space<semaphore_mem>>) src(%dma_wait3A_128 : memref<128x64xf32, #tpu.memory_space<vmem>>) dst(%dma_wait3A_124 : memref<128x64xf32, #tpu.memory_space<hbm>>)
    %dma_wait3A_129 = arith.constant 3 : i32
    %dma_wait3A_130 = arith.constant 3 : i32
    %dma_wait3A_131 = arith.constant 0 : i32
    %dma_wait3A_132 = arith.constant 0 : i32
    %dma_wait3A_133 = tpu.memref_slice %arg6[%dma_wait3A_129, %dma_wait3A_131, %dma_wait3A_132] : memref<6x128x64xf32, #tpu.memory_space<vmem>> -> memref<1x128x64xf32, #tpu.memory_space<vmem>>
    %dma_wait3A_134 = tpu.memref_squeeze %dma_wait3A_133 : memref<1x128x64xf32, #tpu.memory_space<vmem>> -> memref<128x64xf32, #tpu.memory_space<vmem>>
    %dma_wait3A_135 = arith.constant 0 : i32
    %dma_wait3A_136 = tpu.memref_slice %arg4[%mul3A_2, %dma_wait3A_135] : memref<307200x128xf32, #tpu.memory_space<hbm>> -> memref<128x64xf32, #tpu.memory_space<hbm>>
    %dma_wait3A_137 = tpu.memref_slice %arg8[%dma_wait3A_130] : memref<6x!tpu.dma_semaphore, #tpu.memory_space<semaphore_mem>> -> memref<1x!tpu.dma_semaphore, #tpu.memory_space<semaphore_mem>>
    %dma_wait3A_138 = tpu.memref_squeeze %dma_wait3A_137 : memref<1x!tpu.dma_semaphore, #tpu.memory_space<semaphore_mem>> -> memref<!tpu.dma_semaphore, #tpu.memory_space<semaphore_mem>>
    %dma_wait3A_139 = arith.constant 0 : i32
    %dma_wait3A_140 = tpu.memref_slice %arg4[%mul3A_2, %dma_wait3A_139] : memref<307200x128xf32, #tpu.memory_space<hbm>> -> memref<128x64xf32, #tpu.memory_space<hbm>>
    %dma_wait3A_141 = arith.constant 0 : i32
    %dma_wait3A_142 = arith.constant 0 : i32
    %dma_wait3A_143 = tpu.memref_slice %arg6[%dma_wait3A_129, %dma_wait3A_141, %dma_wait3A_142] : memref<6x128x64xf32, #tpu.memory_space<vmem>> -> memref<1x128x64xf32, #tpu.memory_space<vmem>>
    %dma_wait3A_144 = tpu.memref_squeeze %dma_wait3A_143 : memref<1x128x64xf32, #tpu.memory_space<vmem>> -> memref<128x64xf32, #tpu.memory_space<vmem>>
    tpu.wait_dma2 semaphore(%dma_wait3A_138 : memref<!tpu.dma_semaphore, #tpu.memory_space<semaphore_mem>>) src(%dma_wait3A_144 : memref<128x64xf32, #tpu.memory_space<vmem>>) dst(%dma_wait3A_140 : memref<128x64xf32, #tpu.memory_space<hbm>>)
    %dma_wait3A_145 = arith.constant 4 : i32
    %dma_wait3A_146 = arith.constant 4 : i32
    %dma_wait3A_147 = arith.constant 0 : i32
    %dma_wait3A_148 = arith.constant 0 : i32
    %dma_wait3A_149 = tpu.memref_slice %arg6[%dma_wait3A_145, %dma_wait3A_147, %dma_wait3A_148] : memref<6x128x64xf32, #tpu.memory_space<vmem>> -> memref<1x128x64xf32, #tpu.memory_space<vmem>>
    %dma_wait3A_150 = tpu.memref_squeeze %dma_wait3A_149 : memref<1x128x64xf32, #tpu.memory_space<vmem>> -> memref<128x64xf32, #tpu.memory_space<vmem>>
    %dma_wait3A_151 = arith.constant 0 : i32
    %dma_wait3A_152 = tpu.memref_slice %arg4[%mul3A_2, %dma_wait3A_151] : memref<307200x128xf32, #tpu.memory_space<hbm>> -> memref<128x64xf32, #tpu.memory_space<hbm>>
    %dma_wait3A_153 = tpu.memref_slice %arg8[%dma_wait3A_146] : memref<6x!tpu.dma_semaphore, #tpu.memory_space<semaphore_mem>> -> memref<1x!tpu.dma_semaphore, #tpu.memory_space<semaphore_mem>>
    %dma_wait3A_154 = tpu.memref_squeeze %dma_wait3A_153 : memref<1x!tpu.dma_semaphore, #tpu.memory_space<semaphore_mem>> -> memref<!tpu.dma_semaphore, #tpu.memory_space<semaphore_mem>>
    %dma_wait3A_155 = arith.constant 0 : i32
    %dma_wait3A_156 = tpu.memref_slice %arg4[%mul3A_2, %dma_wait3A_155] : memref<307200x128xf32, #tpu.memory_space<hbm>> -> memref<128x64xf32, #tpu.memory_space<hbm>>
    %dma_wait3A_157 = arith.constant 0 : i32
    %dma_wait3A_158 = arith.constant 0 : i32
    %dma_wait3A_159 = tpu.memref_slice %arg6[%dma_wait3A_145, %dma_wait3A_157, %dma_wait3A_158] : memref<6x128x64xf32, #tpu.memory_space<vmem>> -> memref<1x128x64xf32, #tpu.memory_space<vmem>>
    %dma_wait3A_160 = tpu.memref_squeeze %dma_wait3A_159 : memref<1x128x64xf32, #tpu.memory_space<vmem>> -> memref<128x64xf32, #tpu.memory_space<vmem>>
    tpu.wait_dma2 semaphore(%dma_wait3A_154 : memref<!tpu.dma_semaphore, #tpu.memory_space<semaphore_mem>>) src(%dma_wait3A_160 : memref<128x64xf32, #tpu.memory_space<vmem>>) dst(%dma_wait3A_156 : memref<128x64xf32, #tpu.memory_space<hbm>>)
    %dma_wait3A_161 = arith.constant 5 : i32
    %dma_wait3A_162 = arith.constant 5 : i32
    %dma_wait3A_163 = arith.constant 0 : i32
    %dma_wait3A_164 = arith.constant 0 : i32
    %dma_wait3A_165 = tpu.memref_slice %arg6[%dma_wait3A_161, %dma_wait3A_163, %dma_wait3A_164] : memref<6x128x64xf32, #tpu.memory_space<vmem>> -> memref<1x128x64xf32, #tpu.memory_space<vmem>>
    %dma_wait3A_166 = tpu.memref_squeeze %dma_wait3A_165 : memref<1x128x64xf32, #tpu.memory_space<vmem>> -> memref<128x64xf32, #tpu.memory_space<vmem>>
    %dma_wait3A_167 = arith.constant 0 : i32
    %dma_wait3A_168 = tpu.memref_slice %arg4[%mul3A_2, %dma_wait3A_167] : memref<307200x128xf32, #tpu.memory_space<hbm>> -> memref<128x64xf32, #tpu.memory_space<hbm>>
    %dma_wait3A_169 = tpu.memref_slice %arg8[%dma_wait3A_162] : memref<6x!tpu.dma_semaphore, #tpu.memory_space<semaphore_mem>> -> memref<1x!tpu.dma_semaphore, #tpu.memory_space<semaphore_mem>>
    %dma_wait3A_170 = tpu.memref_squeeze %dma_wait3A_169 : memref<1x!tpu.dma_semaphore, #tpu.memory_space<semaphore_mem>> -> memref<!tpu.dma_semaphore, #tpu.memory_space<semaphore_mem>>
    %dma_wait3A_171 = arith.constant 0 : i32
    %dma_wait3A_172 = tpu.memref_slice %arg4[%mul3A_2, %dma_wait3A_171] : memref<307200x128xf32, #tpu.memory_space<hbm>> -> memref<128x64xf32, #tpu.memory_space<hbm>>
    %dma_wait3A_173 = arith.constant 0 : i32
    %dma_wait3A_174 = arith.constant 0 : i32
    %dma_wait3A_175 = tpu.memref_slice %arg6[%dma_wait3A_161, %dma_wait3A_173, %dma_wait3A_174] : memref<6x128x64xf32, #tpu.memory_space<vmem>> -> memref<1x128x64xf32, #tpu.memory_space<vmem>>
    %dma_wait3A_176 = tpu.memref_squeeze %dma_wait3A_175 : memref<1x128x64xf32, #tpu.memory_space<vmem>> -> memref<128x64xf32, #tpu.memory_space<vmem>>
    tpu.wait_dma2 semaphore(%dma_wait3A_170 : memref<!tpu.dma_semaphore, #tpu.memory_space<semaphore_mem>>) src(%dma_wait3A_176 : memref<128x64xf32, #tpu.memory_space<vmem>>) dst(%dma_wait3A_172 : memref<128x64xf32, #tpu.memory_space<hbm>>)
    return
  }
}

module attributes {stable_mosaic.version = 14 : i64} {
  func.func @_tc_body_alias(%arg0: i32, %arg1: memref<500000x128xf32, #tpu.memory_space<hbm>>, %arg2: memref<4096x128xf32, #tpu.memory_space<vmem>>, %arg3: memref<3x4096xf32, #tpu.memory_space<vmem>>, %arg4: memref<1x4096xf32, #tpu.memory_space<vmem>>, %arg5: memref<32x3xf32, #tpu.memory_space<vmem>>, %arg6: memref<32x1xf32, #tpu.memory_space<vmem>>, %arg7: memref<32x128xf32, #tpu.memory_space<vmem>>, %arg8: memref<64x128xf32, #tpu.memory_space<vmem>>, %arg9: memref<3x128xf32, #tpu.memory_space<vmem>>, %arg10: memref<1x128xf32, #tpu.memory_space<vmem>>, %arg11: memref<1x128xf32, #tpu.memory_space<vmem>>, %arg12: memref<4096x128xf32, #tpu.memory_space<vmem>>) attributes {dimension_semantics = [#tpu.dimension_semantics<arbitrary>], iteration_bounds = array<i64: 48>, scalar_prefetch = 0 : i64, scratch_operands = 0 : i64, tpu.core_type = #tpu.core_type<tc>, window_params = [{}, {transform_indices = @transform_1, window_bounds = array<i64: 4096, 128>}, {transform_indices = @transform_2, window_bounds = array<i64: 3, 4096>}, {transform_indices = @transform_3, window_bounds = array<i64: 1, 4096>}, {pipeline_mode = #tpu.pipeline_mode<synchronous>, transform_indices = @transform_4, window_bounds = array<i64: 32, 3>}, {pipeline_mode = #tpu.pipeline_mode<synchronous>, transform_indices = @transform_5, window_bounds = array<i64: 32, 1>}, {pipeline_mode = #tpu.pipeline_mode<synchronous>, transform_indices = @transform_6, window_bounds = array<i64: 32, 128>}, {pipeline_mode = #tpu.pipeline_mode<synchronous>, transform_indices = @transform_7, window_bounds = array<i64: 64, 128>}, {pipeline_mode = #tpu.pipeline_mode<synchronous>, transform_indices = @transform_8, window_bounds = array<i64: 3, 128>}, {pipeline_mode = #tpu.pipeline_mode<synchronous>, transform_indices = @transform_9, window_bounds = array<i64: 1, 128>}, {pipeline_mode = #tpu.pipeline_mode<synchronous>, transform_indices = @transform_10, window_bounds = array<i64: 1, 128>}, {transform_indices = @transform_11, window_bounds = array<i64: 4096, 128>}]} {
    %get3A = arith.constant 0 : index
    %get3A_0 = arith.constant 0 : index
    %get3A_1 = vector.load %arg2[%get3A, %get3A_0] : memref<4096x128xf32, #tpu.memory_space<vmem>>, vector<4096x64xf32>
    %get3A_2 = arith.constant 0 : index
    %get3A_3 = arith.constant 0 : index
    %get3A_4 = vector.load %arg3[%get3A_2, %get3A_3] : memref<3x4096xf32, #tpu.memory_space<vmem>>, vector<3x4096xf32>
    %get3A_5 = arith.constant 0 : index
    %get3A_6 = arith.constant 0 : index
    %get3A_7 = vector.load %arg5[%get3A_5, %get3A_6] : memref<32x3xf32, #tpu.memory_space<vmem>>, vector<32x3xf32>
    %dot_general3A = arith.constant dense<0.000000e+00> : vector<32x4096xf32>
    %dot_general3A_8 = tpu.matmul %get3A_7, %get3A_4, %dot_general3A {dimension_numbers = #tpu.dot_dimension_numbers<[1], [0], [0], [1], [0, 0, 1, 1], [], []>, precision = #tpu.contract_precision<fp32>, transpose_lhs_hint = false} : vector<32x3xf32>, vector<3x4096xf32>, vector<32x4096xf32> -> vector<32x4096xf32>
    %get3A_9 = arith.constant 0 : index
    %get3A_10 = arith.constant 0 : index
    %get3A_11 = vector.load %arg6[%get3A_9, %get3A_10] : memref<32x1xf32, #tpu.memory_space<vmem>>, vector<32x1xf32>
    %add3A = vector.broadcast %get3A_11 : vector<32x1xf32> to vector<32x4096xf32>
    %add3A_12 = arith.addf %dot_general3A_8, %add3A : vector<32x4096xf32>
    %mul3A = arith.constant 0.159154937 : f32
    %mul3A_13 = vector.broadcast %mul3A : f32 to vector<32x4096xf32>
    %mul3A_14 = arith.mulf %add3A_12, %mul3A_13 : vector<32x4096xf32>
    %add3A_15 = arith.constant 5.000000e-01 : f32
    %add3A_16 = vector.broadcast %add3A_15 : f32 to vector<32x4096xf32>
    %add3A_17 = arith.addf %mul3A_14, %add3A_16 : vector<32x4096xf32>
    %floor3A = math.floor %add3A_17 : vector<32x4096xf32>
    %sub3A = arith.subf %mul3A_14, %floor3A : vector<32x4096xf32>
    %mul3A_18 = arith.mulf %sub3A, %sub3A : vector<32x4096xf32>
    %mul3A_19 = arith.constant 3.21912026 : f32
    %mul3A_20 = vector.broadcast %mul3A_19 : f32 to vector<32x4096xf32>
    %mul3A_21 = arith.mulf %mul3A_20, %mul3A_18 : vector<32x4096xf32>
    %add3A_22 = arith.constant -14.8834362 : f32
    %add3A_23 = vector.broadcast %add3A_22 : f32 to vector<32x4096xf32>
    %add3A_24 = arith.addf %mul3A_21, %add3A_23 : vector<32x4096xf32>
    %mul3A_25 = arith.mulf %add3A_24, %mul3A_18 : vector<32x4096xf32>
    %add3A_26 = arith.constant 42.0204926 : f32
    %add3A_27 = vector.broadcast %add3A_26 : f32 to vector<32x4096xf32>
    %add3A_28 = arith.addf %mul3A_25, %add3A_27 : vector<32x4096xf32>
    %mul3A_29 = arith.mulf %add3A_28, %mul3A_18 : vector<32x4096xf32>
    %add3A_30 = arith.constant -76.7021561 : f32
    %add3A_31 = vector.broadcast %add3A_30 : f32 to vector<32x4096xf32>
    %add3A_32 = arith.addf %mul3A_29, %add3A_31 : vector<32x4096xf32>
    %mul3A_33 = arith.mulf %add3A_32, %mul3A_18 : vector<32x4096xf32>
    %add3A_34 = arith.constant 81.6050644 : f32
    %add3A_35 = vector.broadcast %add3A_34 : f32 to vector<32x4096xf32>
    %add3A_36 = arith.addf %mul3A_33, %add3A_35 : vector<32x4096xf32>
    %mul3A_37 = arith.mulf %add3A_36, %mul3A_18 : vector<32x4096xf32>
    %add3A_38 = arith.constant -41.3416977 : f32
    %add3A_39 = vector.broadcast %add3A_38 : f32 to vector<32x4096xf32>
    %add3A_40 = arith.addf %mul3A_37, %add3A_39 : vector<32x4096xf32>
    %mul3A_41 = arith.mulf %add3A_40, %mul3A_18 : vector<32x4096xf32>
    %add3A_42 = arith.constant 6.28318548 : f32
    %add3A_43 = vector.broadcast %add3A_42 : f32 to vector<32x4096xf32>
    %add3A_44 = arith.addf %mul3A_41, %add3A_43 : vector<32x4096xf32>
    %mul3A_45 = arith.mulf %add3A_44, %sub3A : vector<32x4096xf32>
    %get3A_46 = arith.constant 0 : index
    %get3A_47 = arith.constant 0 : index
    %get3A_48 = vector.load %arg7[%get3A_46, %get3A_47] : memref<32x128xf32, #tpu.memory_space<vmem>>, vector<32x128xf32>
    %dot_general3A_49 = arith.constant dense<0.000000e+00> : vector<4096x128xf32>
    %dot_general3A_50 = tpu.matmul %mul3A_45, %get3A_48, %dot_general3A_49 {dimension_numbers = #tpu.dot_dimension_numbers<[0], [0], [1], [1], [0, 1, 1, 1], [], []>, transpose_lhs_hint = false} : vector<32x4096xf32>, vector<32x128xf32>, vector<4096x128xf32> -> vector<4096x128xf32>
    %get3A_51 = arith.constant 0 : index
    %get3A_52 = arith.constant 0 : index
    %get3A_53 = vector.load %arg8[%get3A_51, %get3A_52] : memref<64x128xf32, #tpu.memory_space<vmem>>, vector<64x128xf32>
    %dot_general3A_54 = arith.constant dense<0.000000e+00> : vector<4096x128xf32>
    %dot_general3A_55 = tpu.matmul %get3A_1, %get3A_53, %dot_general3A_54 {dimension_numbers = #tpu.dot_dimension_numbers<[1], [0], [0], [1], [0, 0, 1, 1], [], []>, transpose_lhs_hint = false} : vector<4096x64xf32>, vector<64x128xf32>, vector<4096x128xf32> -> vector<4096x128xf32>
    %add3A_56 = arith.addf %dot_general3A_50, %dot_general3A_55 : vector<4096x128xf32>
    %get3A_57 = arith.constant 0 : index
    %get3A_58 = arith.constant 0 : index
    %get3A_59 = vector.load %arg9[%get3A_57, %get3A_58] : memref<3x128xf32, #tpu.memory_space<vmem>>, vector<3x128xf32>
    %dot_general3A_60 = arith.constant dense<0.000000e+00> : vector<4096x128xf32>
    %dot_general3A_61 = tpu.matmul %get3A_4, %get3A_59, %dot_general3A_60 {dimension_numbers = #tpu.dot_dimension_numbers<[0], [0], [1], [1], [0, 1, 1, 1], [], []>, transpose_lhs_hint = false} : vector<3x4096xf32>, vector<3x128xf32>, vector<4096x128xf32> -> vector<4096x128xf32>
    %add3A_62 = arith.addf %add3A_56, %dot_general3A_61 : vector<4096x128xf32>
    %get3A_63 = arith.constant 0 : index
    %get3A_64 = arith.constant 0 : index
    %get3A_65 = vector.load %arg4[%get3A_63, %get3A_64] : memref<1x4096xf32, #tpu.memory_space<vmem>>, vector<1x4096xf32>
    %get3A_66 = arith.constant 0 : index
    %get3A_67 = arith.constant 0 : index
    %get3A_68 = vector.load %arg10[%get3A_66, %get3A_67] : memref<1x128xf32, #tpu.memory_space<vmem>>, vector<1x128xf32>
    %dot_general3A_69 = arith.constant dense<0.000000e+00> : vector<4096x128xf32>
    %dot_general3A_70 = tpu.matmul %get3A_65, %get3A_68, %dot_general3A_69 {dimension_numbers = #tpu.dot_dimension_numbers<[0], [0], [1], [1], [0, 1, 1, 1], [], []>, transpose_lhs_hint = false} : vector<1x4096xf32>, vector<1x128xf32>, vector<4096x128xf32> -> vector<4096x128xf32>
    %add3A_71 = arith.addf %add3A_62, %dot_general3A_70 : vector<4096x128xf32>
    %get3A_72 = arith.constant 0 : index
    %get3A_73 = arith.constant 0 : index
    %get3A_74 = vector.load %arg11[%get3A_72, %get3A_73] : memref<1x128xf32, #tpu.memory_space<vmem>>, vector<1x128xf32>
    %add3A_75 = vector.broadcast %get3A_74 : vector<1x128xf32> to vector<4096x128xf32>
    %add3A_76 = arith.addf %add3A_71, %add3A_75 : vector<4096x128xf32>
    %swap3A = arith.constant 0 : index
    %swap3A_77 = arith.constant 0 : index
    %swap3A_78 = vector.load %arg12[%swap3A, %swap3A_77] : memref<4096x128xf32, #tpu.memory_space<vmem>>, vector<4096x128xf32>
    tpu.vector_store %arg12[%swap3A, %swap3A_77], %add3A_76 {strides = array<i32>} : memref<4096x128xf32, #tpu.memory_space<vmem>>, vector<4096x128xf32>,
    return
  }
  func.func @transform_1(%arg0: i32) -> (i32, i32) {
    %c0_i32 = arith.constant 0 : i32
    %c0_i32_0 = arith.constant 0 : i32
    return %arg0, %c0_i32 : i32, i32
  }
  func.func @transform_2(%arg0: i32) -> (i32, i32) {
    %add3A = arith.constant 75 : i32
    %add3A_0 = arith.addi %arg0, %add3A : i32
    %c0_i32 = arith.constant 0 : i32
    %c0_i32_1 = arith.constant 0 : i32
    return %c0_i32, %add3A_0 : i32, i32
  }
  func.func @transform_3(%arg0: i32) -> (i32, i32) {
    %add3A = arith.constant 75 : i32
    %add3A_0 = arith.addi %arg0, %add3A : i32
    %c0_i32 = arith.constant 0 : i32
    %c0_i32_1 = arith.constant 0 : i32
    return %c0_i32, %add3A_0 : i32, i32
  }
  func.func @transform_4(%arg0: i32) -> (i32, i32) {
    %c0_i32 = arith.constant 0 : i32
    %c0_i32_0 = arith.constant 0 : i32
    %c0_i32_1 = arith.constant 0 : i32
    return %c0_i32, %c0_i32_0 : i32, i32
  }
  func.func @transform_5(%arg0: i32) -> (i32, i32) {
    %c0_i32 = arith.constant 0 : i32
    %c0_i32_0 = arith.constant 0 : i32
    %c0_i32_1 = arith.constant 0 : i32
    return %c0_i32, %c0_i32_0 : i32, i32
  }
  func.func @transform_6(%arg0: i32) -> (i32, i32) {
    %c0_i32 = arith.constant 0 : i32
    %c0_i32_0 = arith.constant 0 : i32
    %c0_i32_1 = arith.constant 0 : i32
    return %c0_i32, %c0_i32_0 : i32, i32
  }
  func.func @transform_7(%arg0: i32) -> (i32, i32) {
    %c0_i32 = arith.constant 0 : i32
    %c0_i32_0 = arith.constant 0 : i32
    %c0_i32_1 = arith.constant 0 : i32
    return %c0_i32, %c0_i32_0 : i32, i32
  }
  func.func @transform_8(%arg0: i32) -> (i32, i32) {
    %c0_i32 = arith.constant 0 : i32
    %c0_i32_0 = arith.constant 0 : i32
    %c0_i32_1 = arith.constant 0 : i32
    return %c0_i32, %c0_i32_0 : i32, i32
  }
  func.func @transform_9(%arg0: i32) -> (i32, i32) {
    %c0_i32 = arith.constant 0 : i32
    %c0_i32_0 = arith.constant 0 : i32
    %c0_i32_1 = arith.constant 0 : i32
    return %c0_i32, %c0_i32_0 : i32, i32
  }
  func.func @transform_10(%arg0: i32) -> (i32, i32) {
    %c0_i32 = arith.constant 0 : i32
    %c0_i32_0 = arith.constant 0 : i32
    %c0_i32_1 = arith.constant 0 : i32
    return %c0_i32, %c0_i32_0 : i32, i32
  }
  func.func @transform_11(%arg0: i32) -> (i32, i32) {
    %add3A = arith.constant 75 : i32
    %add3A_0 = arith.addi %arg0, %add3A : i32
    %c0_i32 = arith.constant 0 : i32
    %c0_i32_1 = arith.constant 0 : i32
    return %add3A_0, %c0_i32 : i32, i32
  }
}

module attributes {stable_mosaic.version = 14 : i64} {
  func.func @_tc_body(%arg0: i32, %arg1: memref<4096x128xf32, #tpu.memory_space<vmem>>, %arg2: memref<3x4096xf32, #tpu.memory_space<vmem>>, %arg3: memref<1x4096xf32, #tpu.memory_space<vmem>>, %arg4: memref<32x3xf32, #tpu.memory_space<vmem>>, %arg5: memref<32x1xf32, #tpu.memory_space<vmem>>, %arg6: memref<32x128xf32, #tpu.memory_space<vmem>>, %arg7: memref<64x128xf32, #tpu.memory_space<vmem>>, %arg8: memref<3x128xf32, #tpu.memory_space<vmem>>, %arg9: memref<1x128xf32, #tpu.memory_space<vmem>>, %arg10: memref<1x128xf32, #tpu.memory_space<vmem>>, %arg11: memref<4096x128xf32, #tpu.memory_space<vmem>>) attributes {dimension_semantics = [#tpu.dimension_semantics<arbitrary>], iteration_bounds = array<i64: 75>, scalar_prefetch = 0 : i64, scratch_operands = 0 : i64, tpu.core_type = #tpu.core_type<tc>, window_params = [{transform_indices = @transform_0, window_bounds = array<i64: 4096, 128>}, {transform_indices = @transform_1, window_bounds = array<i64: 3, 4096>}, {transform_indices = @transform_2, window_bounds = array<i64: 1, 4096>}, {pipeline_mode = #tpu.pipeline_mode<synchronous>, transform_indices = @transform_3, window_bounds = array<i64: 32, 3>}, {pipeline_mode = #tpu.pipeline_mode<synchronous>, transform_indices = @transform_4, window_bounds = array<i64: 32, 1>}, {pipeline_mode = #tpu.pipeline_mode<synchronous>, transform_indices = @transform_5, window_bounds = array<i64: 32, 128>}, {pipeline_mode = #tpu.pipeline_mode<synchronous>, transform_indices = @transform_6, window_bounds = array<i64: 64, 128>}, {pipeline_mode = #tpu.pipeline_mode<synchronous>, transform_indices = @transform_7, window_bounds = array<i64: 3, 128>}, {pipeline_mode = #tpu.pipeline_mode<synchronous>, transform_indices = @transform_8, window_bounds = array<i64: 1, 128>}, {pipeline_mode = #tpu.pipeline_mode<synchronous>, transform_indices = @transform_9, window_bounds = array<i64: 1, 128>}, {transform_indices = @transform_10, window_bounds = array<i64: 4096, 128>}]} {
    %get3A = arith.constant 0 : index
    %get3A_0 = arith.constant 0 : index
    %get3A_1 = vector.load %arg1[%get3A, %get3A_0] : memref<4096x128xf32, #tpu.memory_space<vmem>>, vector<4096x64xf32>
    %get3A_2 = arith.constant 0 : index
    %get3A_3 = arith.constant 0 : index
    %get3A_4 = vector.load %arg2[%get3A_2, %get3A_3] : memref<3x4096xf32, #tpu.memory_space<vmem>>, vector<3x4096xf32>
    %get3A_5 = arith.constant 0 : index
    %get3A_6 = arith.constant 0 : index
    %get3A_7 = vector.load %arg4[%get3A_5, %get3A_6] : memref<32x3xf32, #tpu.memory_space<vmem>>, vector<32x3xf32>
    %dot_general3A = arith.constant dense<0.000000e+00> : vector<32x4096xf32>
    %dot_general3A_8 = tpu.matmul %get3A_7, %get3A_4, %dot_general3A {dimension_numbers = #tpu.dot_dimension_numbers<[1], [0], [0], [1], [0, 0, 1, 1], [], []>, precision = #tpu.contract_precision<fp32>, transpose_lhs_hint = false} : vector<32x3xf32>, vector<3x4096xf32>, vector<32x4096xf32> -> vector<32x4096xf32>
    %get3A_9 = arith.constant 0 : index
    %get3A_10 = arith.constant 0 : index
    %get3A_11 = vector.load %arg5[%get3A_9, %get3A_10] : memref<32x1xf32, #tpu.memory_space<vmem>>, vector<32x1xf32>
    %add3A = vector.broadcast %get3A_11 : vector<32x1xf32> to vector<32x4096xf32>
    %add3A_12 = arith.addf %dot_general3A_8, %add3A : vector<32x4096xf32>
    %mul3A = arith.constant 0.159154937 : f32
    %mul3A_13 = vector.broadcast %mul3A : f32 to vector<32x4096xf32>
    %mul3A_14 = arith.mulf %add3A_12, %mul3A_13 : vector<32x4096xf32>
    %add3A_15 = arith.constant 5.000000e-01 : f32
    %add3A_16 = vector.broadcast %add3A_15 : f32 to vector<32x4096xf32>
    %add3A_17 = arith.addf %mul3A_14, %add3A_16 : vector<32x4096xf32>
    %floor3A = math.floor %add3A_17 : vector<32x4096xf32>
    %sub3A = arith.subf %mul3A_14, %floor3A : vector<32x4096xf32>
    %mul3A_18 = arith.mulf %sub3A, %sub3A : vector<32x4096xf32>
    %mul3A_19 = arith.constant 3.21912026 : f32
    %mul3A_20 = vector.broadcast %mul3A_19 : f32 to vector<32x4096xf32>
    %mul3A_21 = arith.mulf %mul3A_20, %mul3A_18 : vector<32x4096xf32>
    %add3A_22 = arith.constant -14.8834362 : f32
    %add3A_23 = vector.broadcast %add3A_22 : f32 to vector<32x4096xf32>
    %add3A_24 = arith.addf %mul3A_21, %add3A_23 : vector<32x4096xf32>
    %mul3A_25 = arith.mulf %add3A_24, %mul3A_18 : vector<32x4096xf32>
    %add3A_26 = arith.constant 42.0204926 : f32
    %add3A_27 = vector.broadcast %add3A_26 : f32 to vector<32x4096xf32>
    %add3A_28 = arith.addf %mul3A_25, %add3A_27 : vector<32x4096xf32>
    %mul3A_29 = arith.mulf %add3A_28, %mul3A_18 : vector<32x4096xf32>
    %add3A_30 = arith.constant -76.7021561 : f32
    %add3A_31 = vector.broadcast %add3A_30 : f32 to vector<32x4096xf32>
    %add3A_32 = arith.addf %mul3A_29, %add3A_31 : vector<32x4096xf32>
    %mul3A_33 = arith.mulf %add3A_32, %mul3A_18 : vector<32x4096xf32>
    %add3A_34 = arith.constant 81.6050644 : f32
    %add3A_35 = vector.broadcast %add3A_34 : f32 to vector<32x4096xf32>
    %add3A_36 = arith.addf %mul3A_33, %add3A_35 : vector<32x4096xf32>
    %mul3A_37 = arith.mulf %add3A_36, %mul3A_18 : vector<32x4096xf32>
    %add3A_38 = arith.constant -41.3416977 : f32
    %add3A_39 = vector.broadcast %add3A_38 : f32 to vector<32x4096xf32>
    %add3A_40 = arith.addf %mul3A_37, %add3A_39 : vector<32x4096xf32>
    %mul3A_41 = arith.mulf %add3A_40, %mul3A_18 : vector<32x4096xf32>
    %add3A_42 = arith.constant 6.28318548 : f32
    %add3A_43 = vector.broadcast %add3A_42 : f32 to vector<32x4096xf32>
    %add3A_44 = arith.addf %mul3A_41, %add3A_43 : vector<32x4096xf32>
    %mul3A_45 = arith.mulf %add3A_44, %sub3A : vector<32x4096xf32>
    %get3A_46 = arith.constant 0 : index
    %get3A_47 = arith.constant 0 : index
    %get3A_48 = vector.load %arg6[%get3A_46, %get3A_47] : memref<32x128xf32, #tpu.memory_space<vmem>>, vector<32x128xf32>
    %dot_general3A_49 = arith.constant dense<0.000000e+00> : vector<4096x128xf32>
    %dot_general3A_50 = tpu.matmul %mul3A_45, %get3A_48, %dot_general3A_49 {dimension_numbers = #tpu.dot_dimension_numbers<[0], [0], [1], [1], [0, 1, 1, 1], [], []>, transpose_lhs_hint = false} : vector<32x4096xf32>, vector<32x128xf32>, vector<4096x128xf32> -> vector<4096x128xf32>
    %get3A_51 = arith.constant 0 : index
    %get3A_52 = arith.constant 0 : index
    %get3A_53 = vector.load %arg7[%get3A_51, %get3A_52] : memref<64x128xf32, #tpu.memory_space<vmem>>, vector<64x128xf32>
    %dot_general3A_54 = arith.constant dense<0.000000e+00> : vector<4096x128xf32>
    %dot_general3A_55 = tpu.matmul %get3A_1, %get3A_53, %dot_general3A_54 {dimension_numbers = #tpu.dot_dimension_numbers<[1], [0], [0], [1], [0, 0, 1, 1], [], []>, transpose_lhs_hint = false} : vector<4096x64xf32>, vector<64x128xf32>, vector<4096x128xf32> -> vector<4096x128xf32>
    %add3A_56 = arith.addf %dot_general3A_50, %dot_general3A_55 : vector<4096x128xf32>
    %get3A_57 = arith.constant 0 : index
    %get3A_58 = arith.constant 0 : index
    %get3A_59 = vector.load %arg8[%get3A_57, %get3A_58] : memref<3x128xf32, #tpu.memory_space<vmem>>, vector<3x128xf32>
    %dot_general3A_60 = arith.constant dense<0.000000e+00> : vector<4096x128xf32>
    %dot_general3A_61 = tpu.matmul %get3A_4, %get3A_59, %dot_general3A_60 {dimension_numbers = #tpu.dot_dimension_numbers<[0], [0], [1], [1], [0, 1, 1, 1], [], []>, transpose_lhs_hint = false} : vector<3x4096xf32>, vector<3x128xf32>, vector<4096x128xf32> -> vector<4096x128xf32>
    %add3A_62 = arith.addf %add3A_56, %dot_general3A_61 : vector<4096x128xf32>
    %get3A_63 = arith.constant 0 : index
    %get3A_64 = arith.constant 0 : index
    %get3A_65 = vector.load %arg3[%get3A_63, %get3A_64] : memref<1x4096xf32, #tpu.memory_space<vmem>>, vector<1x4096xf32>
    %get3A_66 = arith.constant 0 : index
    %get3A_67 = arith.constant 0 : index
    %get3A_68 = vector.load %arg9[%get3A_66, %get3A_67] : memref<1x128xf32, #tpu.memory_space<vmem>>, vector<1x128xf32>
    %dot_general3A_69 = arith.constant dense<0.000000e+00> : vector<4096x128xf32>
    %dot_general3A_70 = tpu.matmul %get3A_65, %get3A_68, %dot_general3A_69 {dimension_numbers = #tpu.dot_dimension_numbers<[0], [0], [1], [1], [0, 1, 1, 1], [], []>, transpose_lhs_hint = false} : vector<1x4096xf32>, vector<1x128xf32>, vector<4096x128xf32> -> vector<4096x128xf32>
    %add3A_71 = arith.addf %add3A_62, %dot_general3A_70 : vector<4096x128xf32>
    %get3A_72 = arith.constant 0 : index
    %get3A_73 = arith.constant 0 : index
    %get3A_74 = vector.load %arg10[%get3A_72, %get3A_73] : memref<1x128xf32, #tpu.memory_space<vmem>>, vector<1x128xf32>
    %add3A_75 = vector.broadcast %get3A_74 : vector<1x128xf32> to vector<4096x128xf32>
    %add3A_76 = arith.addf %add3A_71, %add3A_75 : vector<4096x128xf32>
    %swap3A = arith.constant 0 : index
    %swap3A_77 = arith.constant 0 : index
    %swap3A_78 = vector.load %arg11[%swap3A, %swap3A_77] : memref<4096x128xf32, #tpu.memory_space<vmem>>, vector<4096x128xf32>
    tpu.vector_store %arg11[%swap3A, %swap3A_77], %add3A_76 {strides = array<i32>} : memref<4096x128xf32, #tpu.memory_space<vmem>>, vector<4096x128xf32>,
    return
  }
  func.func @transform_0(%arg0: i32) -> (i32, i32) {
    %c0_i32 = arith.constant 0 : i32
    %c0_i32_0 = arith.constant 0 : i32
    return %arg0, %c0_i32 : i32, i32
  }
  func.func @transform_1(%arg0: i32) -> (i32, i32) {
    %add3A = arith.constant 0 : i32
    %add3A_0 = arith.addi %arg0, %add3A : i32
    %c0_i32 = arith.constant 0 : i32
    %c0_i32_1 = arith.constant 0 : i32
    return %c0_i32, %add3A_0 : i32, i32
  }
  func.func @transform_2(%arg0: i32) -> (i32, i32) {
    %add3A = arith.constant 0 : i32
    %add3A_0 = arith.addi %arg0, %add3A : i32
    %c0_i32 = arith.constant 0 : i32
    %c0_i32_1 = arith.constant 0 : i32
    return %c0_i32, %add3A_0 : i32, i32
  }
  func.func @transform_3(%arg0: i32) -> (i32, i32) {
    %c0_i32 = arith.constant 0 : i32
    %c0_i32_0 = arith.constant 0 : i32
    %c0_i32_1 = arith.constant 0 : i32
    return %c0_i32, %c0_i32_0 : i32, i32
  }
  func.func @transform_4(%arg0: i32) -> (i32, i32) {
    %c0_i32 = arith.constant 0 : i32
    %c0_i32_0 = arith.constant 0 : i32
    %c0_i32_1 = arith.constant 0 : i32
    return %c0_i32, %c0_i32_0 : i32, i32
  }
  func.func @transform_5(%arg0: i32) -> (i32, i32) {
    %c0_i32 = arith.constant 0 : i32
    %c0_i32_0 = arith.constant 0 : i32
    %c0_i32_1 = arith.constant 0 : i32
    return %c0_i32, %c0_i32_0 : i32, i32
  }
  func.func @transform_6(%arg0: i32) -> (i32, i32) {
    %c0_i32 = arith.constant 0 : i32
    %c0_i32_0 = arith.constant 0 : i32
    %c0_i32_1 = arith.constant 0 : i32
    return %c0_i32, %c0_i32_0 : i32, i32
  }
  func.func @transform_7(%arg0: i32) -> (i32, i32) {
    %c0_i32 = arith.constant 0 : i32
    %c0_i32_0 = arith.constant 0 : i32
    %c0_i32_1 = arith.constant 0 : i32
    return %c0_i32, %c0_i32_0 : i32, i32
  }
  func.func @transform_8(%arg0: i32) -> (i32, i32) {
    %c0_i32 = arith.constant 0 : i32
    %c0_i32_0 = arith.constant 0 : i32
    %c0_i32_1 = arith.constant 0 : i32
    return %c0_i32, %c0_i32_0 : i32, i32
  }
  func.func @transform_9(%arg0: i32) -> (i32, i32) {
    %c0_i32 = arith.constant 0 : i32
    %c0_i32_0 = arith.constant 0 : i32
    %c0_i32_1 = arith.constant 0 : i32
    return %c0_i32, %c0_i32_0 : i32, i32
  }
  func.func @transform_10(%arg0: i32) -> (i32, i32) {
    %add3A = arith.constant 0 : i32
    %add3A_0 = arith.addi %arg0, %add3A : i32
    %c0_i32 = arith.constant 0 : i32
    %c0_i32_1 = arith.constant 0 : i32
    return %add3A_0, %c0_i32 : i32, i32
  }
}

</mosaic_0001>

<sc_bundles>
// kernel: kernel.6.cloned.1.call-start
scs
__scs_entry_jumppad:
0x0: {  	(pc) =	sbr.rel $0x88, $3  }
0x1: {  	(tag) =	ssettag $0x0;
	lr =	simm.s32 $0x1  }
0x2: {  	[smem:$0x3F9B] =	sst lr;
	_ =	strace $0xD0000000  }
0x3: {  	_ = 	snop  }
0x4: {  	_ = 	snop  }
0x5: {  	_ = 	snop  }
0x6: {  	_ = 	snop  }
0x7: {  	_ = 	snop  }
__scs_overlays_trampoline_lowered:
0x8: {  	[smem:$0x3FAA] =	sst s0  }
0x9: {  	[smem:$0x3FAB] =	sst s1  }
0xa: {  	[smem:$0x3FAC] =	sst s2  }
0xb: {  	[smem:$0x3FAD] =	sst s3  }
0xc: {  	[smem:$0x3FAE] =	sst s4  }
0xd: {  	[smem:$0x3FAF] =	sst s5  }
0xe: {  	[smem:$0x3FB0] =	sst s6  }
0xf: {  	[smem:$0x3FB1] =	sst s7  }
0x10: {  	[smem:$0x3FB2] =	sst s8  }
0x11: {  	[smem:$0x3FB3] =	sst s9;
	s0 =	simm.s32 @!p0 $0x0  }
0x12: {  	s1 =	sld [smem:$0x3F99];
	s0 =	simm.s32 @p0 $0x1  }
0x13: {  	[smem:$0x3FB4] =	sst s0;
	s0 =	simm.s32 @!p1 $0x0  }
0x14: {  	s2 =	sld [smem:$0x3F98];
	s0 =	simm.s32 @p1 $0x1  }
0x15: {  	[smem:$0x3FB5] =	sst s0;
	s0 =	simm.s32 @!p2 $0x0  }
0x16: {  	s3 =	sld [smem:$0x3FDB];
	s0 =	simm.s32 @p2 $0x1  }
0x17: {  	s4 =	simm.s32 $0x1BF5;
	[smem:$0x3FB7] =	sst s0  }
0x18: {  	s0 =	sld [smem:$0x3F9A];
	_ =	swait.ge [sflag:s4], $0x0  }
0x19: {  	s7 =	sld [smem:$0x3F9B]  }
0x1a: {  	s8 =	sadd.s32 $0xFFFFE003, lr  }
0x1b: {  	s9 =	sadd.s32 $0xFFFFFEF7, lr;
	s5 =	simm.s32 $0xFFFFFFFF;
	p2 =	slt.u32 s8, $0xFFFFF086  }
0x1c: {  	p1 =	slt.u32 s9, $0xF7A;
	s5 =	simm.s32 @!p2 $0x0  }
0x1d: {  	s5 =	simm.s32 @p1 $0x1;
	p0 =	seq.s32 s7, s2  }
0x1e: {  	s7 =	smul.u32 @!p0 $0xF7A, s2;
	p2 =	seq.s32 @!p0 s5, $0x0  }
0x1f: {  	s9 =	smul.u32 $0xF7A, s1;
	s8 =	simm.s32 @!p0 $0x1BF5;
	p2 =	por !p2, p0  }
0x20: {  	[sflag:s8] =	ssyncset.s32 @!p0 $0xFFFFF086;
	s6 =	sadd.s32 @!p0 s3, s7;
	s7 =	simm.s32 @!p0 $0x108  }
0x21: {  	s3 =	sadd.s32 s3, s9;
	s6 =	sadd.s32 @!p0 $0x88, s6;
	s7 =	simm.s32 @p2 $0x1082  }
0x22: {  	[simem:s7], [sflag:s8] =	dma.local @!p0 [hbm:s6], $0xF7A  }
0x23: {  	s9 =	sor.u32 $0xD0000000, s2;
	s6 =	simm.s32 $0x108;
	_ =	swait.ge @!p0 [sflag:s8], $0x0  }
0x24: {  	s3 =	sadd.s32 $0x88, s3;
	s6 =	simm.s32 @!p1 $0x1082;
	[sflag:s4] =	ssyncset.s32 $0xFFFFF086  }
0x25: {  	[simem:s6], [sflag:s4] =	dma.local [hbm:s3], $0xF7A  }
0x26: {  	[smem:$0x3F9B] =	sst s1;
	(tag) =	ssettag s2;
	_ =	strace s9  }
0x27: {  	s1 =	sld [smem:$0x3FAB]  }
0x28: {  	s2 =	sld [smem:$0x3FAC]  }
0x29: {  	s4 =	sld [smem:$0x3FAE]  }
0x2a: {  	p0 =	seq.s32 s5, $0x0;
	s5 =	sld [smem:$0x3FAF]  }
0x2b: {  	s6 =	sld [smem:$0x3FB0]  }
0x2c: {  	s7 =	sld [smem:$0x3FB1]  }
0x2d: {  	s3 =	simm.s32 $0x108;
	s8 =	sld [smem:$0x3FB2]  }
0x2e: {  	s3 =	simm.s32 @!p0 $0x1082;
	s9 =	sld [smem:$0x3FB3]  }
0x2f: {  	lr =	sadd.s32 s0, s3;
	s0 =	sld [smem:$0x3FAA]  }
0x30: {  	s3 =	sld [smem:$0x3FAD]  }
0x31: {  	[smem:$0x3FB6] =	sst s10  }
0x32: {  	s10 =	sld [smem:$0x3FB4];
	_ =	sdelay $0x3  }
0x33: {  	p0 =	seq.s32 s10, $0x1;
	s10 =	sld [smem:$0x3FB6];
	_ =	sdelay $0x3  }
0x34: {  	[smem:$0x3FB6] =	sst s10  }
0x35: {  	s10 =	sld [smem:$0x3FB5];
	_ =	sdelay $0x3  }
0x36: {  	p1 =	seq.s32 s10, $0x1;
	s10 =	sld [smem:$0x3FB6];
	_ =	sdelay $0x3  }
0x37: {  	[smem:$0x3FB6] =	sst s10  }
0x38: {  	s10 =	sld [smem:$0x3FB7]  }
0x39: {  	_ = 	snop;
	(pc) =	sbr.ind lr, $3  }
0x3a: {  	_ = 	snop  }
0x3b: {  	_ = 	snop  }
0x3c: {  	p2 =	seq.s32 s10, $0x1;
	s10 =	sld [smem:$0x3FB6]  }
0x3d: {  	_ =	shalt  }
0x3e: {  	_ =	shalt  }
0x3f: {  	_ =	shalt  }
0x40: {  	_ =	shalt  }
0x41: {  	_ =	shalt  }
0x42: {  	_ =	shalt  }
0x43: {  	_ =	shalt  }
0x44: {  	_ =	shalt  }
0x45: {  	_ =	shalt  }
0x46: {  	_ =	shalt  }
0x47: {  	_ =	shalt  }
0x48: {  	_ =	shalt  }
0x49: {  	_ =	shalt  }
0x4a: {  	_ =	shalt  }
0x4b: {  	_ =	shalt  }
0x4c: {  	_ =	shalt  }
0x4d: {  	_ =	shalt  }
0x4e: {  	_ =	shalt  }
0x4f: {  	_ =	shalt  }
0x50: {  	_ =	shalt  }
0x51: {  	_ =	shalt  }
0x52: {  	_ =	shalt  }
0x53: {  	_ =	shalt  }
0x54: {  	_ =	shalt  }
0x55: {  	_ =	shalt  }
0x56: {  	_ =	shalt  }
0x57: {  	_ =	shalt  }
0x58: {  	_ =	shalt  }
0x59: {  	_ =	shalt  }
0x5a: {  	_ =	shalt  }
0x5b: {  	_ =	shalt  }
0x5c: {  	_ =	shalt  }
0x5d: {  	_ =	shalt  }
0x5e: {  	_ =	shalt  }
0x5f: {  	_ =	shalt  }
0x60: {  	_ =	shalt  }
0x61: {  	_ =	shalt  }
0x62: {  	_ =	shalt  }
0x63: {  	_ =	shalt  }
0x64: {  	_ =	shalt  }
0x65: {  	_ =	shalt  }
0x66: {  	_ =	shalt  }
0x67: {  	_ =	shalt  }
0x68: {  	_ =	shalt  }
0x69: {  	_ =	shalt  }
0x6a: {  	_ =	shalt  }
0x6b: {  	_ =	shalt  }
0x6c: {  	_ =	shalt  }
0x6d: {  	_ =	shalt  }
0x6e: {  	_ =	shalt  }
0x6f: {  	_ =	shalt  }
0x70: {  	_ =	shalt  }
0x71: {  	_ =	shalt  }
0x72: {  	_ =	shalt  }
0x73: {  	_ =	shalt  }
0x74: {  	_ =	shalt  }
0x75: {  	_ =	shalt  }
0x76: {  	_ =	shalt  }
0x77: {  	_ =	shalt  }
0x78: {  	_ =	shalt  }
0x79: {  	_ =	shalt  }
0x7a: {  	_ =	shalt  }
0x7b: {  	_ =	shalt  }
0x7c: {  	_ =	shalt  }
0x7d: {  	_ =	shalt  }
0x7e: {  	_ =	shalt  }
0x7f: {  	_ =	shalt  }
0x80: {  	_ =	shalt  }
0x81: {  	_ =	shalt  }
0x82: {  	_ =	shalt  }
0x83: {  	_ =	shalt  }
0x84: {  	_ =	shalt  }
0x85: {  	_ =	shalt  }
0x86: {  	_ =	shalt  }
0x87: {  	_ =	shalt  }
.Lfunc_end0:
.L_simem_size_0:
called_computation_lowered:
.L_overlay_start_0:
0x88: {  	s2 =	sld [smem:$0x3FD9]  }
0x89: {  	s3 =	sld [smem:$0x3FFE];
	_ =	sdelay $0x1  }
0x8a: {  	s1 =	srdreg.scid  }
0x8b: {  	s0 =	sand.u32 $0x1, s1  }
0x8c: {  	s16 =	sshll.u32 s0, $0xA;
	s2 =	sadd.s32 s3, s2  }
0x8d: {  	s2 =	sadd.s32 s2, s16  }
0x8e: {  	[smem:$0x3FC2] =	sst s2  }
0x8f: {  	_ = 	snop  }
0x90: {  	(tm) =	ssettm $0x1  }
0x91: {  	s17 =	sld [smem:$0x3FFB];
	_ =	sdelay $0x3  }
0x92: {  	_ =	strace s17  }
0x93: {  	s2 =	sld [smem:$0x3FFC];
	_ =	sdelay $0x3  }
0x94: {  	_ =	strace s2  }
0x95: {  	s2 =	sld [smem:$0x3FFD];
	_ =	sdelay $0x3  }
0x96: {  	_ =	strace s2  }
0x97: {  	_ =	strace $0x8FFFFFFF  }
0x98: {  	s18 =	sld [smem:$0x3FDB];
	_ =	sdelay $0x1  }
0x99: {  	s19 =	simm.s32 $_scs_section_size  }
0x9a: {  	s4 =	simm.s32 $_size__tile_overlayer_lowered;
	s5 =	simm.s32 $_tile_overlayer_lowered  }
0x9b: {  	s22 =	simm.s32 $0x1BFF;
	s21 =	sshll.u32 s5, $0x1;
	s2 =	sadd.s32 s19, s18  }
0x9c: {  	s6 =	simm.s32 $0x0;
	s20 =	sshll.u32 s4, $0x1;
	s4 =	sadd.s32 s21, s2  }
0x9d: {  	[timem:s6], [sflag:s22] =	dma.local [hbm:s4], s20  }
0x9e: {  	_ =	swait.ge [sflag:s22], s20  }
0x9f: {  	s3 =	ssub.s32 $0x0, s20;
	[sflag:s22] =	ssyncset.done $0x0  }
0xa0: {  	[sflag:s22] =	ssyncadd.s32 s3;
	_ =	sdelay $0x1  }
0xa1: {  	s23 =	simm.s32 $0x1B8B  }
0xa2: {  	_ =	swait.ge [sflag:s23], $0x1  }
0xa3: {  	[sflag:s23] =	ssyncset.done $0x0  }
0xa4: {  	s25 =	simm.s32 $0x1B8E;
	s24 =	sld [smem:$0x3FFE];
	[sflag:s23] =	ssyncadd.s32 $0xFFFFFFFF  }
0xa5: {  	s26 =	simm.s32 $execute0_lowered;
	[smem:$0x3FD2] =	sst s25  }
0xa6: {  	s4 =	sshll.u32 s26, $0x1;
	_ =	strace $0x80000046;
	[dreg:$0x1] =	wrdreg $0xFFFFFFFF  }
0xa7: {  	s28 =	simm.s32 $_size_execute0_lowered;
	s2 =	sadd.s32 s2, s4;
	[dreg:$0x0] =	wrdreg $0x0  }
0xa8: {  	s4 =	sshll.u32 s28, $0x1;
	[dreg:$0x2] =	wrdreg s2  }
0xa9: {  	[dreg:$0x3] =	wrdreg s4  }
0xaa: {  	[dreg:$0x4] =	wrdreg $0xC0  }
0xab: {  	_ =	task [dreg:s6], $0x5FFFF  }
0xac: {  	[dreg:$0x1] =	wrdreg $0xFFFFFFFF  }
0xad: {  	[dreg:$0x0] =	wrdreg $0x60  }
0xae: {  	[dreg:$0x2] =	wrdreg s24  }
0xaf: {  	[dreg:$0x3] =	wrdreg $0x9  }
0xb0: {  	_ =	task.clear_ibuf [dreg:s6], $0x4FFFF;
	_ =	strace $0x90000046  }
0xb1: {  	s29 =	simm.s32 $0x9;
	_ =	strace $0x80000048  }
0xb2: {  	_ =	swait.ge [sflag:s29], $0x1  }
0xb3: {  	[sflag:s29] =	ssyncadd.s32 $0xFFFFFFFF  }
0xb4: {  	_ =	strace $0x90000048  }
0xb5: {  	_ =	sfence  }
0xb6: {  	s30 =	sld [smem:$0x0];
	_ =	sdelay $0x2  }
0xb7: {  	s31 =	sshll.u32 s1, $0xD;
	s1 =	sshrl.u32 s1, $0x2  }
0xb8: {  	s3 =	sand.u32 $0x4000, s31;
	s1 =	sadd.s32 s1, s30  }
0xb9: {  	s0 =	sor.u32 s3, s0;
	s1 =	sshll.u32 s1, $0x11  }
0xba: {  	s0 =	sor.u32 s1, s0  }
0xbb: {  	s0 =	sadd.s32 $0x8F2B, s0  }
0xbc: {  	[sflag:s0] =	ssyncadd.remote.s32 $0x1  }
0xbd: {  	_ =	sfence.sel $0xFFFF  }
0xbe: {  	[dreg:$0x0] =	wrdreg $0xFFFFFFFF;
	(pc) =	sbr.abs _section_cstart, $3  }
0xbf: {  	[dreg:$0x1] =	wrdreg $0xFFFFFFFF  }
0xc0: {  	_ =	task.clear_ibuf [dreg:s6], $0x2FFFF;
	_ =	strace $0x9FFFFFFF  }
0xc1: {  	(tm) =	ssettm $0x7FFFFFFF  }
tec
execute0_lowered:
.L_overlay_start_1:
0x0: {  	(tag) =	ssettag $0x1  }
0x1: {  	s4 =	rddreg [dreg:$0x0]  }
0x2: {  	s2 =	srdreg.scid;
	s1 =	stileid.u32  }
0x3: {  	s9 =	simm.s32 $0x2580;
	s10 =	simm.s32 $0x4580;
	s11 =	simm.s32 $0x100  }
0x4: {  	s12 =	simm.s32 $0x6580;
	s13 =	simm.s32 $0x180;
	s14 =	simm.s32 $0x8580  }
0x5: {  	s15 =	simm.s32 $0x200;
	s16 =	simm.s32 $0xA580;
	s17 =	simm.s32 $0x40  }
0x6: {  	s18 =	simm.s32 $0x7;
	s19 =	simm.s32 $0x8;
	s20 =	simm.s32 $0x9  }
0x7: {  	s21 =	simm.s32 $0xA;
	s22 =	simm.s32 $0xB;
	s23 =	simm.s32 $0xC  }
0x8: {  	s3 =	sand.u32 $0x1, s2;
	s5 =	sshll.u32 s1, $0x1;
	s6 =	smul.u32 $0x258000, s1  }
0x9: {  	s2 =	simm.s32 $0x0;
	s5 =	sor.u32 s3, s5;
	s7 =	smul.u32 $0x12C000, s3  }
0xa: {  	s24 =	simm.s32 $0x0;
	[smem:$0x7FF] =	sst s2;
	s5 =	smul.u32 $0x4B0, s5  }
.Ltmp0:
0xb: {  	s31 =	ssub.s32 $0x2, s3;
	s3 =	sadd.s32 $0xAE00, s4;
	(pc) =	sbr.rel .LBB2_1-.Ltmp0, $4  }
0xc: {  	_ =	strace $0x80000047;
	s8 =	sshrl.u32 s31, $0x1;
	s6 =	sadd.s32 s7, s6  }
0xd: {  	s7 =	ssub.s32 s31, s8;
	s5 =	sadd.s32 s5, s4;
	s6 =	sshrl.u32 s6, $0x3  }
0xe: {  	s8 =	simm.s32 $0x80;
	s6 =	sadd.s32 s6, s4;
	s4 =	sadd.s32 $0x1800, s5  }
0xf: {  	s5 =	smax.u32 s7, $0x1;
	s7 =	simm.s32 $0xD;
	s6 =	sadd.s32 $0xCE400, s6  }
.LBB2_7:
0x10: {  	_ =	swait.ge [sflag:s18], $0x2000  }
0x11: {  	[sflag:s18] =	ssyncset.done $0x0  }
0x12: {  	[sflag:s18] =	ssyncadd.s32 $0xFFFFE000  }
0x13: {  	_ =	swait.ge [sflag:s19], $0x2000  }
0x14: {  	[sflag:s19] =	ssyncset.done $0x0  }
0x15: {  	[sflag:s19] =	ssyncadd.s32 $0xFFFFE000  }
0x16: {  	_ =	swait.ge [sflag:s20], $0x2000  }
0x17: {  	[sflag:s20] =	ssyncset.done $0x0  }
0x18: {  	[sflag:s20] =	ssyncadd.s32 $0xFFFFE000  }
0x19: {  	_ =	swait.ge [sflag:s21], $0x2000  }
0x1a: {  	[sflag:s21] =	ssyncset.done $0x0  }
0x1b: {  	s24 =	sadd.s32 $0x1, s24;
	[sflag:s21] =	ssyncadd.s32 $0xFFFFE000  }
0x1c: {  	p0 =	sne.s32 s24, s5;
	_ =	swait.ge [sflag:s22], $0x2000  }
.Ltmp1:
0x1d: {  	[sflag:s22] =	ssyncset.done $0x0;
	(pc) =	sbr.rel @!p0 .LBB2_8-.Ltmp1, $4  }
0x1e: {  	[sflag:s22] =	ssyncadd.s32 $0xFFFFE000  }
0x1f: {  	_ =	swait.ge [sflag:s23], $0x2000  }
0x20: {  	[sflag:s23] =	ssyncset.done $0x0  }
0x21: {  	[sflag:s23] =	ssyncadd.s32 $0xFFFFE000  }
.LBB2_1:
0x22: {  	[tilespmem:s2], [sflag:$0xD] =	stream.linear.gather [hbm4b:s4+s2], $0x2580, $0x38;
	[tilespmem:$0xE580] =	vst v63  }
0x23: {  	_ =	swait.ge [sflag:s7], $0x2580  }
0x24: {  	[sflag:s7] =	ssyncset.done $0x0  }
0x25: {  	[sflag:s7] =	ssyncadd.s32 $0xFFFFDA80  }
0x26: {  	[tilespmem:s9], [sflag:$0x1] =	stream.indirect.gather [hbm4b:s3+s8], $0x40, s2, s8, $0xb8;
	[tilespmem:$0xE580] =	vst v63  }
0x27: {  	_ = 	snop  }
0x28: {  	[tilespmem:s10], [sflag:$0x2] =	stream.indirect.gather [hbm4b:s3+s8], $0x40, s8, s8, $0xb8;
	[tilespmem:$0xE580] =	vst v63  }
0x29: {  	_ = 	snop  }
0x2a: {  	[tilespmem:s12], [sflag:$0x3] =	stream.indirect.gather [hbm4b:s3+s8], $0x40, s11, s8, $0xb8;
	[tilespmem:$0xE580] =	vst v63  }
.Ltmp2:
0x2b: {  	_ = 	snop;
	(pc) =	sbr.rel .LBB2_2-.Ltmp2, $4  }
0x2c: {  	_ = 	snop  }
0x2d: {  	[tilespmem:s14], [sflag:$0x4] =	stream.indirect.gather [hbm4b:s3+s8], $0x40, s13, s8, $0xb8;
	[tilespmem:$0xE580] =	vst v63  }
0x2e: {  	s28 =	simm.s32 $0xFFFFFFFF;
	s25 =	simm.s32 $0x280;
	s26 =	smov.u32 s6  }
0x2f: {  	[tilespmem:s16], [sflag:$0x5] =	stream.indirect.gather [hbm4b:s3+s8], $0x40, s15, s8, $0xb8;
	[tilespmem:$0xE580] =	vst v63  }
.LBB2_3:
0x30: {  	s0 =	sadd.s32 $0x7, s29  }
0x31: {  	_ =	swait.ge [sflag:s0], $0x2000  }
0x32: {  	[sflag:s0] =	ssyncset.done $0x0  }
0x33: {  	[sflag:s0] =	ssyncadd.s32 $0xFFFFE000  }
.LBB2_5:
0x34: {  	s0 =	sshll.u32 s29, $0xD  }
0x35: {  	s31 =	sadd.s32 $0x1, s29;
	s0 =	sadd.s32 $0x2580, s0  }
0x36: {  	[tilespmem:s0], [sflag:s31] =	stream.indirect.gather [hbm4b:s3+s8], $0x40, s25, s8, $0xb8;
	[tilespmem:$0xE580] =	vst v63  }
.LBB2_6:
0x37: {  	p0 =	sne.s32 s28, $0x4A  }
.Ltmp3:
0x38: {  	_ = 	snop;
	(pc) =	sbr.rel @!p0 .LBB2_7-.Ltmp3, $2  }
0x39: {  	_ =	sdelay $0x2  }
0x3a: {  	s26 =	sadd.s32 $0x800, s26;
	s25 =	sadd.s32 $0x80, s25  }
.LBB2_2:
0x3b: {  	s30 =	smul.u32 $0xAB, s28;
	_ =	sdelay $0x1  }
0x3c: {  	s29 =	smov.u32 s28;
	s28 =	sadd.s32 $0xAB, s30  }
0x3d: {  	s28 =	sshrl.u32 s28, $0xA  }
0x3e: {  	s28 =	sand.u32 $0x3F, s28  }
0x3f: {  	s31 =	smul.u32 $0x6, s28  }
0x40: {  	s28 =	sadd.s32 $0x1, s29  }
0x41: {  	s31 =	ssub.s32 s28, s31  }
0x42: {  	s30 =	sadd.s32 $0x402, s30;
	s31 =	sand.u32 $0xFF, s31  }
0x43: {  	s30 =	sshrl.u32 s30, $0xA;
	s0 =	sadd.s32 $0x1, s31  }
0x44: {  	s30 =	sand.u32 $0x3F, s30;
	_ =	swait.ge [sflag:s0], $0x2000  }
0x45: {  	p0 =	sgt.u32 s29, $0x44;
	s30 =	smul.u32 $0x6, s30;
	[sflag:s0] =	ssyncset.done $0x0  }
.Ltmp4:
0x46: {  	[sflag:s0] =	ssyncadd.s32 $0xFFFFE000;
	s0 =	sshll.u32 s31, $0xD;
	(pc) =	sbr.rel @!p0 .LBB2_3-.Ltmp4, $4  }
0x47: {  	s30 =	ssub.s32 s29, s30;
	s31 =	sadd.s32 $0x7, s31;
	s0 =	sadd.s32 $0x2580, s0  }
0x48: {  	[hbm4b:s26+s17] =	stream.strided.scatter [tilespmem:s0], [sflag:s31], $0x2000, s8, s17, $0x38;
	[tilespmem:$0xE580] =	vst v63  }
0x49: {  	s31 =	sadd.s32 $0x6, s30  }
0x4a: {  	s29 =	sand.u32 $0xFF, s31  }
0x4b: {  	p0 =	sgt.u32 s28, $0x45  }
.Ltmp5:
0x4c: {  	_ = 	snop;
	(pc) =	sbr.rel @p0 .LBB2_6-.Ltmp5, $4  }
.Ltmp6:
0x4d: {  	_ = 	snop;
	(pc) =	sbr.rel @!p0 .LBB2_5-.Ltmp6, $4  }
0x4e: {  	_ = 	snop  }
0x4f: {  	_ = 	snop  }
0x50: {  	_ = 	snop  }
0x51: {  	_ = 	snop  }
.LBB2_8:
0x52: {  	_ =	sfence.sel $0x180000  }
0x53: {  	[bflag:$0x0] =	sbarrier.arrive $0xFFFF  }
0x54: {  	_ =	strace $0x90000047  }
0x55: {  	[bflag:$0x2] =	sbarrier.arrive $0xFFFF  }
0x56: {  	p0 =	sne.s32 s1, $0x0;
	s0 =	rddreg [dreg:$0x1]  }
0x57: {  	s0 =	sadd.s32 @!p0 $0x100000, s0  }
0x58: {  	[sflag:s0] =	ssyncadd.tile.s32 @!p0 $0x1;
	_ =	shalt  }
.Lfunc_end2:
_tile_overlayer_lowered:
.L_overlay_start_2:
0x59: {  	(tag) =	ssettag $0x2  }
0x5a: {  	s0 =	rddreg [dreg:$0x0];
	s2 =	stileid.u32  }
0x5b: {  	s1 =	rddreg [dreg:$0x1];
	p0 =	sne.s32 s2, $0x0  }
0x5c: {  	s3 =	rddreg [dreg:$0x2];
	[bflag:$0x3] =	sbarrier.arrive $0xFFFF;
	s2 =	simm.s32 @!p0 $0x1C0D  }
0x5d: {  	[timem:s3], [sflag:s2] =	dma.local @!p0 [hbm:s0], s1  }
0x5e: {  	s0 =	simm.s32 @!p0 $0xD  }
0x5f: {  	_ =	swait.ge @!p0 [sflag:s0], s1  }
0x60: {  	s1 =	ssub.s32 @!p0 $0x0, s1;
	[sflag:s0] =	ssyncset.done @!p0 $0x0  }
0x61: {  	[sflag:s0] =	ssyncadd.s32 @!p0 s1  }
0x62: {  	[bflag:$0x3] =	sbarrier.arrive $0xFFFF  }
0x63: {  	_ =	shalt  }

// kernel: kernel.9.cloned.1.call-start
scs
__scs_entry_jumppad:
0x0: {  	(pc) =	sbr.rel $0x88, $3  }
0x1: {  	(tag) =	ssettag $0x0;
	lr =	simm.s32 $0x1  }
0x2: {  	[smem:$0x3F9B] =	sst lr;
	_ =	strace $0xD0000000  }
0x3: {  	_ = 	snop  }
0x4: {  	_ = 	snop  }
0x5: {  	_ = 	snop  }
0x6: {  	_ = 	snop  }
0x7: {  	_ = 	snop  }
__scs_overlays_trampoline_lowered:
0x8: {  	[smem:$0x3FAA] =	sst s0  }
0x9: {  	[smem:$0x3FAB] =	sst s1  }
0xa: {  	[smem:$0x3FAC] =	sst s2  }
0xb: {  	[smem:$0x3FAD] =	sst s3  }
0xc: {  	[smem:$0x3FAE] =	sst s4  }
0xd: {  	[smem:$0x3FAF] =	sst s5  }
0xe: {  	[smem:$0x3FB0] =	sst s6  }
0xf: {  	[smem:$0x3FB1] =	sst s7  }
0x10: {  	[smem:$0x3FB2] =	sst s8  }
0x11: {  	[smem:$0x3FB3] =	sst s9;
	s0 =	simm.s32 @!p0 $0x0  }
0x12: {  	s1 =	sld [smem:$0x3F99];
	s0 =	simm.s32 @p0 $0x1  }
0x13: {  	[smem:$0x3FB4] =	sst s0;
	s0 =	simm.s32 @!p1 $0x0  }
0x14: {  	s2 =	sld [smem:$0x3F98];
	s0 =	simm.s32 @p1 $0x1  }
0x15: {  	[smem:$0x3FB5] =	sst s0;
	s0 =	simm.s32 @!p2 $0x0  }
0x16: {  	s3 =	sld [smem:$0x3FDB];
	s0 =	simm.s32 @p2 $0x1  }
0x17: {  	s4 =	simm.s32 $0x1BF5;
	[smem:$0x3FB7] =	sst s0  }
0x18: {  	s0 =	sld [smem:$0x3F9A];
	_ =	swait.ge [sflag:s4], $0x0  }
0x19: {  	s7 =	sld [smem:$0x3F9B]  }
0x1a: {  	s8 =	sadd.s32 $0xFFFFE003, lr  }
0x1b: {  	s9 =	sadd.s32 $0xFFFFFEF7, lr;
	s5 =	simm.s32 $0xFFFFFFFF;
	p2 =	slt.u32 s8, $0xFFFFF086  }
0x1c: {  	p1 =	slt.u32 s9, $0xF7A;
	s5 =	simm.s32 @!p2 $0x0  }
0x1d: {  	s5 =	simm.s32 @p1 $0x1;
	p0 =	seq.s32 s7, s2  }
0x1e: {  	s7 =	smul.u32 @!p0 $0xF7A, s2;
	p2 =	seq.s32 @!p0 s5, $0x0  }
0x1f: {  	s9 =	smul.u32 $0xF7A, s1;
	s8 =	simm.s32 @!p0 $0x1BF5;
	p2 =	por !p2, p0  }
0x20: {  	[sflag:s8] =	ssyncset.s32 @!p0 $0xFFFFF086;
	s6 =	sadd.s32 @!p0 s3, s7;
	s7 =	simm.s32 @!p0 $0x108  }
0x21: {  	s3 =	sadd.s32 s3, s9;
	s6 =	sadd.s32 @!p0 $0x88, s6;
	s7 =	simm.s32 @p2 $0x1082  }
0x22: {  	[simem:s7], [sflag:s8] =	dma.local @!p0 [hbm:s6], $0xF7A  }
0x23: {  	s9 =	sor.u32 $0xD0000000, s2;
	s6 =	simm.s32 $0x108;
	_ =	swait.ge @!p0 [sflag:s8], $0x0  }
0x24: {  	s3 =	sadd.s32 $0x88, s3;
	s6 =	simm.s32 @!p1 $0x1082;
	[sflag:s4] =	ssyncset.s32 $0xFFFFF086  }
0x25: {  	[simem:s6], [sflag:s4] =	dma.local [hbm:s3], $0xF7A  }
0x26: {  	[smem:$0x3F9B] =	sst s1;
	(tag) =	ssettag s2;
	_ =	strace s9  }
0x27: {  	s1 =	sld [smem:$0x3FAB]  }
0x28: {  	s2 =	sld [smem:$0x3FAC]  }
0x29: {  	s4 =	sld [smem:$0x3FAE]  }
0x2a: {  	p0 =	seq.s32 s5, $0x0;
	s5 =	sld [smem:$0x3FAF]  }
0x2b: {  	s6 =	sld [smem:$0x3FB0]  }
0x2c: {  	s7 =	sld [smem:$0x3FB1]  }
0x2d: {  	s3 =	simm.s32 $0x108;
	s8 =	sld [smem:$0x3FB2]  }
0x2e: {  	s3 =	simm.s32 @!p0 $0x1082;
	s9 =	sld [smem:$0x3FB3]  }
0x2f: {  	lr =	sadd.s32 s0, s3;
	s0 =	sld [smem:$0x3FAA]  }
0x30: {  	s3 =	sld [smem:$0x3FAD]  }
0x31: {  	[smem:$0x3FB6] =	sst s10  }
0x32: {  	s10 =	sld [smem:$0x3FB4];
	_ =	sdelay $0x3  }
0x33: {  	p0 =	seq.s32 s10, $0x1;
	s10 =	sld [smem:$0x3FB6];
	_ =	sdelay $0x3  }
0x34: {  	[smem:$0x3FB6] =	sst s10  }
0x35: {  	s10 =	sld [smem:$0x3FB5];
	_ =	sdelay $0x3  }
0x36: {  	p1 =	seq.s32 s10, $0x1;
	s10 =	sld [smem:$0x3FB6];
	_ =	sdelay $0x3  }
0x37: {  	[smem:$0x3FB6] =	sst s10  }
0x38: {  	s10 =	sld [smem:$0x3FB7]  }
0x39: {  	_ = 	snop;
	(pc) =	sbr.ind lr, $3  }
0x3a: {  	_ = 	snop  }
0x3b: {  	_ = 	snop  }
0x3c: {  	p2 =	seq.s32 s10, $0x1;
	s10 =	sld [smem:$0x3FB6]  }
0x3d: {  	_ =	shalt  }
0x3e: {  	_ =	shalt  }
0x3f: {  	_ =	shalt  }
0x40: {  	_ =	shalt  }
0x41: {  	_ =	shalt  }
0x42: {  	_ =	shalt  }
0x43: {  	_ =	shalt  }
0x44: {  	_ =	shalt  }
0x45: {  	_ =	shalt  }
0x46: {  	_ =	shalt  }
0x47: {  	_ =	shalt  }
0x48: {  	_ =	shalt  }
0x49: {  	_ =	shalt  }
0x4a: {  	_ =	shalt  }
0x4b: {  	_ =	shalt  }
0x4c: {  	_ =	shalt  }
0x4d: {  	_ =	shalt  }
0x4e: {  	_ =	shalt  }
0x4f: {  	_ =	shalt  }
0x50: {  	_ =	shalt  }
0x51: {  	_ =	shalt  }
0x52: {  	_ =	shalt  }
0x53: {  	_ =	shalt  }
0x54: {  	_ =	shalt  }
0x55: {  	_ =	shalt  }
0x56: {  	_ =	shalt  }
0x57: {  	_ =	shalt  }
0x58: {  	_ =	shalt  }
0x59: {  	_ =	shalt  }
0x5a: {  	_ =	shalt  }
0x5b: {  	_ =	shalt  }
0x5c: {  	_ =	shalt  }
0x5d: {  	_ =	shalt  }
0x5e: {  	_ =	shalt  }
0x5f: {  	_ =	shalt  }
0x60: {  	_ =	shalt  }
0x61: {  	_ =	shalt  }
0x62: {  	_ =	shalt  }
0x63: {  	_ =	shalt  }
0x64: {  	_ =	shalt  }
0x65: {  	_ =	shalt  }
0x66: {  	_ =	shalt  }
0x67: {  	_ =	shalt  }
0x68: {  	_ =	shalt  }
0x69: {  	_ =	shalt  }
0x6a: {  	_ =	shalt  }
0x6b: {  	_ =	shalt  }
0x6c: {  	_ =	shalt  }
0x6d: {  	_ =	shalt  }
0x6e: {  	_ =	shalt  }
0x6f: {  	_ =	shalt  }
0x70: {  	_ =	shalt  }
0x71: {  	_ =	shalt  }
0x72: {  	_ =	shalt  }
0x73: {  	_ =	shalt  }
0x74: {  	_ =	shalt  }
0x75: {  	_ =	shalt  }
0x76: {  	_ =	shalt  }
0x77: {  	_ =	shalt  }
0x78: {  	_ =	shalt  }
0x79: {  	_ =	shalt  }
0x7a: {  	_ =	shalt  }
0x7b: {  	_ =	shalt  }
0x7c: {  	_ =	shalt  }
0x7d: {  	_ =	shalt  }
0x7e: {  	_ =	shalt  }
0x7f: {  	_ =	shalt  }
0x80: {  	_ =	shalt  }
0x81: {  	_ =	shalt  }
0x82: {  	_ =	shalt  }
0x83: {  	_ =	shalt  }
0x84: {  	_ =	shalt  }
0x85: {  	_ =	shalt  }
0x86: {  	_ =	shalt  }
0x87: {  	_ =	shalt  }
.Lfunc_end0:
.L_simem_size_0:
called_computation.1_lowered:
.L_overlay_start_0:
0x88: {  	s2 =	sld [smem:$0x3FD9]  }
0x89: {  	s3 =	sld [smem:$0x3FFE];
	_ =	sdelay $0x1  }
0x8a: {  	s1 =	srdreg.scid  }
0x8b: {  	s0 =	sand.u32 $0x1, s1  }
0x8c: {  	s17 =	sshll.u32 s0, $0xA;
	s2 =	sadd.s32 s3, s2  }
0x8d: {  	s2 =	sadd.s32 s2, s17  }
0x8e: {  	[smem:$0x3FC2] =	sst s2  }
0x8f: {  	_ = 	snop  }
0x90: {  	(tm) =	ssettm $0x1  }
0x91: {  	s18 =	sld [smem:$0x3FFB];
	_ =	sdelay $0x3  }
0x92: {  	_ =	strace s18  }
0x93: {  	s2 =	sld [smem:$0x3FFC];
	_ =	sdelay $0x3  }
0x94: {  	_ =	strace s2  }
0x95: {  	s2 =	sld [smem:$0x3FFD];
	_ =	sdelay $0x3  }
0x96: {  	_ =	strace s2  }
0x97: {  	_ =	strace $0x8FFFFFFF  }
0x98: {  	s19 =	sld [smem:$0x3FDB];
	_ =	sdelay $0x1  }
0x99: {  	s20 =	simm.s32 $_scs_section_size  }
0x9a: {  	s4 =	simm.s32 $_size__tile_overlayer_lowered;
	s5 =	simm.s32 $_tile_overlayer_lowered  }
0x9b: {  	s6 =	simm.s32 $0x1BFF;
	s21 =	sshll.u32 s5, $0x1;
	s3 =	sadd.s32 s20, s19  }
0x9c: {  	s22 =	simm.s32 $0x0;
	s4 =	sshll.u32 s4, $0x1;
	s5 =	sadd.s32 s21, s3  }
0x9d: {  	[timem:s22], [sflag:s6] =	dma.local [hbm:s5], s4  }
0x9e: {  	_ =	swait.ge [sflag:s6], s4  }
0x9f: {  	s4 =	ssub.s32 $0x0, s4;
	[sflag:s6] =	ssyncset.done $0x0  }
0xa0: {  	[sflag:s6] =	ssyncadd.s32 s4;
	_ =	sdelay $0x1  }
0xa1: {  	s23 =	simm.s32 $0x1B8B  }
0xa2: {  	_ =	swait.ge [sflag:s23], $0x1  }
0xa3: {  	[sflag:s23] =	ssyncset.done $0x0  }
0xa4: {  	[sflag:s23] =	ssyncadd.s32 $0xFFFFFFFF  }
0xa5: {  	s4 =	sld [smem:$0x0]  }
0xa6: {  	s5 =	sand.u32 $0xFFFFFFFE, s1  }
0xa7: {  	p0 =	sne.s32 s1, s5  }
0xa8: {  	s5 =	sshll.u32 @p0 s5, $0xE  }
0xa9: {  	s5 =	sadd.s32 @p0 $0x11B8D, s5;
	s6 =	sshll.u32 @p0 s4, $0x11  }
0xaa: {  	s5 =	sor.u32 @p0 s6, s5  }
0xab: {  	[sflag:s5] =	ssyncadd.remote.s32 @p0 $0x1;
	_ =	sdelay $0x1  }
0xac: {  	s5 =	simm.s32 @p0 $0x1B8D  }
0xad: {  	_ =	swait.eq @p0 [sflag:s5], $0x1  }
0xae: {  	[sflag:s5] =	ssyncadd.s32 @p0 $0xFFFFFFFF  }
0xaf: {  	s6 =	sshll.u32 @!p0 s1, $0xE  }
0xb0: {  	s6 =	sor.u32 @!p0 $0x4000, s6;
	s5 =	simm.s32 @!p0 $0x1B8D  }
0xb1: {  	s4 =	sshll.u32 @!p0 s4, $0x11;
	s6 =	sadd.s32 @!p0 $0x11B8D, s6;
	_ =	swait.eq @!p0 [sflag:s5], $0x1  }
0xb2: {  	s4 =	sor.u32 @!p0 s4, s6;
	[sflag:s5] =	ssyncadd.s32 @!p0 $0xFFFFFFFF  }
0xb3: {  	s25 =	simm.s32 $0x1B8E;
	s24 =	sld [smem:$0x3FFE];
	[sflag:s4] =	ssyncadd.remote.s32 @!p0 $0x1  }
0xb4: {  	s26 =	simm.s32 $execute0_lowered;
	[smem:$0x3FD2] =	sst s25  }
0xb5: {  	s5 =	sshll.u32 s26, $0x1;
	_ =	strace $0x80000049;
	[dreg:$0x1] =	wrdreg $0xFFFFFFFF  }
0xb6: {  	s28 =	simm.s32 $_size_execute0_lowered;
	s3 =	sadd.s32 s3, s5;
	[dreg:$0x0] =	wrdreg $0x0  }
0xb7: {  	s5 =	sshll.u32 s28, $0x1;
	[dreg:$0x2] =	wrdreg s3  }
0xb8: {  	[dreg:$0x3] =	wrdreg s5  }
0xb9: {  	[dreg:$0x4] =	wrdreg $0xC0  }
0xba: {  	_ =	task [dreg:s22], $0x5FFFF  }
0xbb: {  	[dreg:$0x1] =	wrdreg $0xFFFFFFFF  }
0xbc: {  	[dreg:$0x0] =	wrdreg $0x60  }
0xbd: {  	[dreg:$0x2] =	wrdreg s24  }
0xbe: {  	[dreg:$0x3] =	wrdreg $0xA  }
0xbf: {  	_ =	task.clear_ibuf [dreg:s22], $0x4FFFF;
	_ =	strace $0x90000049  }
0xc0: {  	s29 =	simm.s32 $0xA;
	_ =	strace $0x8000004B  }
0xc1: {  	_ =	swait.ge [sflag:s29], $0x1  }
0xc2: {  	[sflag:s29] =	ssyncadd.s32 $0xFFFFFFFF  }
0xc3: {  	_ =	strace $0x9000004B  }
0xc4: {  	_ =	sfence  }
0xc5: {  	s30 =	sld [smem:$0x0];
	_ =	sdelay $0x2  }
0xc6: {  	s31 =	sshll.u32 s1, $0xD;
	s1 =	sshrl.u32 s1, $0x2  }
0xc7: {  	s4 =	sand.u32 $0x4000, s31;
	s1 =	sadd.s32 s1, s30  }
0xc8: {  	s0 =	sor.u32 s4, s0;
	s1 =	sshll.u32 s1, $0x11  }
0xc9: {  	s0 =	sor.u32 s1, s0  }
0xca: {  	s0 =	sadd.s32 $0x8F2B, s0  }
0xcb: {  	[sflag:s0] =	ssyncadd.remote.s32 $0x1  }
0xcc: {  	_ =	sfence.sel $0xFFFF  }
0xcd: {  	[dreg:$0x0] =	wrdreg $0xFFFFFFFF;
	(pc) =	sbr.abs _section_cstart, $3  }
0xce: {  	[dreg:$0x1] =	wrdreg $0xFFFFFFFF  }
0xcf: {  	_ =	task.clear_ibuf [dreg:s22], $0x2FFFF;
	_ =	strace $0x9FFFFFFF  }
0xd0: {  	(tm) =	ssettm $0x7FFFFFFF  }
0xd1: {  	_ =	shalt  }
tec
execute0_lowered:
.L_overlay_start_1:
0x0: {  	(tag) =	ssettag $0x1  }
0x1: {  	s4 =	rddreg [dreg:$0x0]  }
0x2: {  	s2 =	srdreg.scid;
	s1 =	stileid.u32  }
0x3: {  	s9 =	simm.s32 $0x1800;
	s10 =	simm.s32 $0x3800;
	s11 =	simm.s32 $0x100  }
0x4: {  	s12 =	simm.s32 $0x5800;
	s13 =	simm.s32 $0x180;
	s14 =	simm.s32 $0x7800  }
0x5: {  	s15 =	simm.s32 $0x200;
	s16 =	simm.s32 $0x9800;
	s17 =	simm.s32 $0x40  }
0x6: {  	s18 =	simm.s32 $0x7;
	s19 =	simm.s32 $0x8;
	s20 =	simm.s32 $0x9  }
0x7: {  	s21 =	simm.s32 $0xA;
	s22 =	simm.s32 $0xB;
	s23 =	simm.s32 $0xC  }
0x8: {  	s3 =	sand.u32 $0x1, s2;
	s5 =	sshll.u32 s1, $0x1;
	s6 =	smul.u32 $0x180000, s1  }
0x9: {  	s2 =	simm.s32 $0x0;
	s5 =	sor.u32 s3, s5;
	s7 =	smul.u32 $0xC0000, s3  }
0xa: {  	s24 =	simm.s32 $0x0;
	[smem:$0x7FF] =	sst s2;
	s5 =	smul.u32 $0x300, s5  }
.Ltmp0:
0xb: {  	s31 =	ssub.s32 $0x2, s3;
	s3 =	sadd.s32 $0xAE00, s4;
	(pc) =	sbr.rel .LBB2_1-.Ltmp0, $4  }
0xc: {  	_ =	strace $0x8000004A;
	s8 =	sshrl.u32 s31, $0x1;
	s6 =	sadd.s32 s7, s6  }
0xd: {  	s7 =	ssub.s32 s31, s8;
	s5 =	sadd.s32 s5, s4;
	s6 =	sshrl.u32 s6, $0x3  }
0xe: {  	s8 =	simm.s32 $0x80;
	s6 =	sadd.s32 s6, s4;
	s4 =	sadd.s32 $0x57E400, s5  }
0xf: {  	s5 =	smax.u32 s7, $0x1;
	s7 =	simm.s32 $0xD;
	s6 =	sadd.s32 $0x584400, s6  }
.LBB2_7:
0x10: {  	_ =	swait.ge [sflag:s18], $0x2000  }
0x11: {  	[sflag:s18] =	ssyncset.done $0x0  }
0x12: {  	[sflag:s18] =	ssyncadd.s32 $0xFFFFE000  }
0x13: {  	_ =	swait.ge [sflag:s19], $0x2000  }
0x14: {  	[sflag:s19] =	ssyncset.done $0x0  }
0x15: {  	[sflag:s19] =	ssyncadd.s32 $0xFFFFE000  }
0x16: {  	_ =	swait.ge [sflag:s20], $0x2000  }
0x17: {  	[sflag:s20] =	ssyncset.done $0x0  }
0x18: {  	[sflag:s20] =	ssyncadd.s32 $0xFFFFE000  }
0x19: {  	_ =	swait.ge [sflag:s21], $0x2000  }
0x1a: {  	[sflag:s21] =	ssyncset.done $0x0  }
0x1b: {  	s24 =	sadd.s32 $0x1, s24;
	[sflag:s21] =	ssyncadd.s32 $0xFFFFE000  }
0x1c: {  	p0 =	sne.s32 s24, s5;
	_ =	swait.ge [sflag:s22], $0x2000  }
.Ltmp1:
0x1d: {  	[sflag:s22] =	ssyncset.done $0x0;
	(pc) =	sbr.rel @!p0 .LBB2_8-.Ltmp1, $4  }
0x1e: {  	[sflag:s22] =	ssyncadd.s32 $0xFFFFE000  }
0x1f: {  	_ =	swait.ge [sflag:s23], $0x2000  }
0x20: {  	[sflag:s23] =	ssyncset.done $0x0  }
0x21: {  	[sflag:s23] =	ssyncadd.s32 $0xFFFFE000  }
.LBB2_1:
0x22: {  	[tilespmem:s2], [sflag:$0xD] =	stream.linear.gather [hbm4b:s4+s2], $0x1800, $0x38;
	[tilespmem:$0xD800] =	vst v63  }
0x23: {  	_ =	swait.ge [sflag:s7], $0x1800  }
0x24: {  	[sflag:s7] =	ssyncset.done $0x0  }
0x25: {  	[sflag:s7] =	ssyncadd.s32 $0xFFFFE800  }
0x26: {  	[tilespmem:s9], [sflag:$0x1] =	stream.indirect.gather [hbm4b:s3+s8], $0x40, s2, s8, $0xb8;
	[tilespmem:$0xD800] =	vst v63  }
0x27: {  	_ = 	snop  }
0x28: {  	[tilespmem:s10], [sflag:$0x2] =	stream.indirect.gather [hbm4b:s3+s8], $0x40, s8, s8, $0xb8;
	[tilespmem:$0xD800] =	vst v63  }
0x29: {  	_ = 	snop  }
0x2a: {  	[tilespmem:s12], [sflag:$0x3] =	stream.indirect.gather [hbm4b:s3+s8], $0x40, s11, s8, $0xb8;
	[tilespmem:$0xD800] =	vst v63  }
.Ltmp2:
0x2b: {  	_ = 	snop;
	(pc) =	sbr.rel .LBB2_2-.Ltmp2, $4  }
0x2c: {  	_ = 	snop  }
0x2d: {  	[tilespmem:s14], [sflag:$0x4] =	stream.indirect.gather [hbm4b:s3+s8], $0x40, s13, s8, $0xb8;
	[tilespmem:$0xD800] =	vst v63  }
0x2e: {  	s28 =	simm.s32 $0xFFFFFFFF;
	s25 =	simm.s32 $0x280;
	s26 =	smov.u32 s6  }
0x2f: {  	[tilespmem:s16], [sflag:$0x5] =	stream.indirect.gather [hbm4b:s3+s8], $0x40, s15, s8, $0xb8;
	[tilespmem:$0xD800] =	vst v63  }
.LBB2_3:
0x30: {  	s0 =	sadd.s32 $0x7, s29  }
0x31: {  	_ =	swait.ge [sflag:s0], $0x2000  }
0x32: {  	[sflag:s0] =	ssyncset.done $0x0  }
0x33: {  	[sflag:s0] =	ssyncadd.s32 $0xFFFFE000  }
.LBB2_5:
0x34: {  	s0 =	sshll.u32 s29, $0xD  }
0x35: {  	s31 =	sadd.s32 $0x1, s29;
	s0 =	sor.u32 $0x1800, s0  }
0x36: {  	[tilespmem:s0], [sflag:s31] =	stream.indirect.gather [hbm4b:s3+s8], $0x40, s25, s8, $0xb8;
	[tilespmem:$0xD800] =	vst v63  }
.LBB2_6:
0x37: {  	p0 =	sne.s32 s28, $0x2F  }
.Ltmp3:
0x38: {  	_ = 	snop;
	(pc) =	sbr.rel @!p0 .LBB2_7-.Ltmp3, $2  }
0x39: {  	_ =	sdelay $0x2  }
0x3a: {  	s26 =	sadd.s32 $0x800, s26;
	s25 =	sadd.s32 $0x80, s25  }
.LBB2_2:
0x3b: {  	s30 =	smul.u32 $0xAB, s28;
	_ =	sdelay $0x1  }
0x3c: {  	s29 =	smov.u32 s28;
	s28 =	sadd.s32 $0xAB, s30  }
0x3d: {  	s28 =	sshrl.u32 s28, $0xA  }
0x3e: {  	s28 =	sand.u32 $0x3F, s28  }
0x3f: {  	s31 =	smul.u32 $0x6, s28  }
0x40: {  	s28 =	sadd.s32 $0x1, s29  }
0x41: {  	s31 =	ssub.s32 s28, s31  }
0x42: {  	s30 =	sadd.s32 $0x402, s30;
	s31 =	sand.u32 $0xFF, s31  }
0x43: {  	s30 =	sshrl.u32 s30, $0xA;
	s0 =	sadd.s32 $0x1, s31  }
0x44: {  	s30 =	sand.u32 $0x3F, s30;
	_ =	swait.ge [sflag:s0], $0x2000  }
0x45: {  	p0 =	sgt.u32 s29, $0x29;
	s30 =	smul.u32 $0x6, s30;
	[sflag:s0] =	ssyncset.done $0x0  }
.Ltmp4:
0x46: {  	[sflag:s0] =	ssyncadd.s32 $0xFFFFE000;
	s0 =	sshll.u32 s31, $0xD;
	(pc) =	sbr.rel @!p0 .LBB2_3-.Ltmp4, $4  }
0x47: {  	s30 =	ssub.s32 s29, s30;
	s31 =	sadd.s32 $0x7, s31;
	s0 =	sor.u32 $0x1800, s0  }
0x48: {  	[hbm4b:s26+s17] =	stream.strided.scatter [tilespmem:s0], [sflag:s31], $0x2000, s8, s17, $0x38;
	[tilespmem:$0xD800] =	vst v63  }
0x49: {  	s31 =	sadd.s32 $0x6, s30  }
0x4a: {  	s29 =	sand.u32 $0xFF, s31  }
0x4b: {  	p0 =	sgt.u32 s28, $0x2A  }
.Ltmp5:
0x4c: {  	_ = 	snop;
	(pc) =	sbr.rel @p0 .LBB2_6-.Ltmp5, $4  }
.Ltmp6:
0x4d: {  	_ = 	snop;
	(pc) =	sbr.rel @!p0 .LBB2_5-.Ltmp6, $4  }
0x4e: {  	_ = 	snop  }
0x4f: {  	_ = 	snop  }
0x50: {  	_ = 	snop  }
0x51: {  	_ = 	snop  }
.LBB2_8:
0x52: {  	_ =	sfence.sel $0x180000  }
0x53: {  	[bflag:$0x0] =	sbarrier.arrive $0xFFFF  }
0x54: {  	_ =	strace $0x9000004A  }
0x55: {  	[bflag:$0x2] =	sbarrier.arrive $0xFFFF  }
0x56: {  	p0 =	sne.s32 s1, $0x0;
	s0 =	rddreg [dreg:$0x1]  }
0x57: {  	s0 =	sadd.s32 @!p0 $0x100000, s0  }
0x58: {  	[sflag:s0] =	ssyncadd.tile.s32 @!p0 $0x1;
	_ =	shalt  }
.Lfunc_end2:
_tile_overlayer_lowered:
.L_overlay_start_2:
0x59: {  	(tag) =	ssettag $0x2  }
0x5a: {  	s0 =	rddreg [dreg:$0x0];
	s2 =	stileid.u32  }
0x5b: {  	s1 =	rddreg [dreg:$0x1];
	p0 =	sne.s32 s2, $0x0  }
0x5c: {  	s3 =	rddreg [dreg:$0x2];
	[bflag:$0x3] =	sbarrier.arrive $0xFFFF;
	s2 =	simm.s32 @!p0 $0x1C0D  }
0x5d: {  	[timem:s3], [sflag:s2] =	dma.local @!p0 [hbm:s0], s1  }
0x5e: {  	s0 =	simm.s32 @!p0 $0xD  }
0x5f: {  	_ =	swait.ge @!p0 [sflag:s0], s1  }
0x60: {  	s1 =	ssub.s32 @!p0 $0x0, s1;
	[sflag:s0] =	ssyncset.done @!p0 $0x0  }
0x61: {  	[sflag:s0] =	ssyncadd.s32 @!p0 s1  }
0x62: {  	[bflag:$0x3] =	sbarrier.arrive $0xFFFF  }
0x63: {  	_ =	shalt  }

</sc_bundles>
